<compile_context>
chip_gen: v7x
topology: tpu7x:2x2x1
jax: 0.10.2.dev20260603
libtpu: 0.0.44.dev20260713+nightly
codegen_flags: <defaults>
</compile_context>

<pallas_src>
import functools

import jax
import jax.numpy as jnp
from jax import lax
from jax.experimental import pallas as pl
from jax.experimental.pallas import tpu as pltpu
from jax.experimental.pallas import tpu_sc as plsc

N = 10000
D = 128
G = 64

NC = 2
NS = 16
NT = NC * NS
CH = 128
SKEW0 = 0.625

ACC_ROWS = 10112
RPT = ACC_ROWS // NS


def _sc_agg(h, srcg, dstg, zeros, n0, n1):
    maxn = max(n0, n1)
    mesh = plsc.VectorSubcoreMesh(core_axis_name="c", subcore_axis_name="s")

    @functools.partial(
        pl.kernel,
        mesh=mesh,
        out_type=jax.ShapeDtypeStruct((NC, ACC_ROWS, D), jnp.float32),
        scratch_types=[
            pltpu.VMEM((maxn, CH), jnp.int32),
            pltpu.VMEM((maxn, CH), jnp.int32),
            pltpu.VMEM((CH, D), jnp.float32),
            pltpu.VMEM_SHARED((ACC_ROWS, D), jnp.float32),
            pltpu.SemaphoreType.DMA,
        ],
    )
    def agg(h_hbm, src_hbm, dst_hbm, z_hbm, out_hbm, sidx, didx, rows, acc,
            gsem):
        c = lax.axis_index("c")
        s = lax.axis_index("s")
        wid = c * NS + s
        pltpu.sync_copy(z_hbm.at[pl.ds(s * RPT, RPT)], acc.at[pl.ds(s * RPT, RPT)])
        pltpu.sync_copy(src_hbm.at[wid], sidx)
        pltpu.sync_copy(dst_hbm.at[wid], didx)
        plsc.subcore_barrier()

        def body(j, carry):
            pltpu.async_copy(h_hbm.at[sidx.at[j]], rows, gsem).wait()
            pltpu.sync_copy(rows, acc.at[didx.at[j]], add=True)
            return carry

        nch = lax.select(c == 0, n0, n1)
        lax.fori_loop(0, nch, body, 0)
        plsc.subcore_barrier()
        pltpu.sync_copy(acc.at[pl.ds(s * RPT, RPT)],
                        out_hbm.at[c, pl.ds(s * RPT, RPT)])

    return agg(h, srcg, dstg, zeros)


def _tc_pre(x, w, b2):
    def body(x_ref, w_ref, b_ref, o_ref):
        o_ref[...] = jnp.dot(x_ref[...], w_ref[...],
                             preferred_element_type=jnp.float32) + b_ref[...]

    return pl.pallas_call(
        body, out_shape=jax.ShapeDtypeStruct((N, D), jnp.float32)
    )(x, w, b2)


def _tc_layer(h, parts, w1, w2, g2, b2):
    def body(h_ref, p_ref, w1_ref, w2_ref, g_ref, b_ref, o_ref):
        t = h_ref[...] + p_ref[0, :N] + p_ref[1, :N]
        u = jnp.dot(t, w1_ref[...], preferred_element_type=jnp.float32)
        u = jnp.where(u >= 0, u, 0.01 * u)
        z = jnp.dot(u, w2_ref[...], preferred_element_type=jnp.float32)
        m = jnp.mean(z, axis=0, keepdims=True)
        cz = z - m
        v = jnp.mean(cz * cz, axis=0, keepdims=True)
        o_ref[...] = cz * lax.rsqrt(v + 1e-4) * g_ref[...] + b_ref[...]

    return pl.pallas_call(
        body, out_shape=jax.ShapeDtypeStruct((N, D), jnp.float32)
    )(h, parts, w1, w2, g2, b2)


def _tc_final(z0, z1, z2, bt, ff1, ff2, ff3, ffsc):
    def body(z0_ref, z1_ref, z2_ref, bt_ref, f1_ref, f2_ref, f3_ref,
             fsc_ref, o_ref):
        gids = lax.broadcasted_iota(jnp.int32, (G, N), 0)
        oh = (bt_ref[...] == gids).astype(jnp.float32)
        y0 = jnp.dot(oh, z0_ref[...], preferred_element_type=jnp.float32)
        y1 = jnp.dot(oh, z1_ref[...], preferred_element_type=jnp.float32)
        y2 = jnp.dot(oh, z2_ref[...], preferred_element_type=jnp.float32)
        y = jnp.concatenate([y0, y1, y2], axis=1)

        def lk(v):
            return jnp.where(v >= 0, v, 0.01 * v)

        blk = lk(jnp.dot(y, f1_ref[...], preferred_element_type=jnp.float32))
        blk = lk(jnp.dot(blk, f2_ref[...], preferred_element_type=jnp.float32))
        blk = lk(jnp.dot(blk, f3_ref[...], preferred_element_type=jnp.float32))
        o_ref[...] = blk + jnp.dot(y, fsc_ref[...],
                                   preferred_element_type=jnp.float32)

    return pl.pallas_call(
        body, out_shape=jax.ShapeDtypeStruct((G, 3 * D), jnp.float32)
    )(z0, z1, z2, bt, ff1, ff2, ff3, ffsc)


def kernel(x, edge_index, batch, pre_W, pre_b, w1_0, w2_0, g_0, b_0,
           w1_1, w2_1, g_1, b_1, w1_2, w2_2, g_2, b_2, ff1, ff2, ff3, ffsc):
    e = edge_index.shape[1]
    totch = -(-e // (NS * CH))
    n0 = max(2, round(totch * SKEW0))
    n1 = totch - n0
    maxn = max(n0, n1)

    def slab(a, fill):
        a = a.astype(jnp.int32)
        e0 = n0 * CH * NS
        b0 = a[:e0].reshape(NS, n0, CH)
        b0 = jnp.pad(b0, ((0, 0), (0, maxn - n0), (0, 0)),
                     constant_values=fill)
        b1 = jnp.pad(a[e0:], (0, n1 * CH * NS - (e - e0)),
                     constant_values=fill).reshape(NS, n1, CH)
        b1 = jnp.pad(b1, ((0, 0), (0, maxn - n1), (0, 0)),
                     constant_values=fill)
        return jnp.concatenate([b0, b1], axis=0)

    srcg = slab(edge_index[0], 0)
    dstg = slab(edge_index[1], N)
    zeros = jnp.zeros((ACC_ROWS, D), jnp.float32)

    h = _tc_pre(x, pre_W, pre_b.reshape(1, D))
    layers = [(w1_0, w2_0, g_0, b_0), (w1_1, w2_1, g_1, b_1),
              (w1_2, w2_2, g_2, b_2)]
    zs = []
    for (w1, w2, g, b) in layers:
        parts = _sc_agg(h, srcg, dstg, zeros, n0, n1)
        h = _tc_layer(h, parts, w1, w2, g.reshape(1, D), b.reshape(1, D))
        zs.append(h)

    return _tc_final(zs[0], zs[1], zs[2],
                     batch.reshape(1, N).astype(jnp.int32),
                     ff1, ff2, ff3, ffsc)

# --- scband reference (transcript-rebuilt; emitter-appended) ---
"""Pipeline reference for scband-graph-representation-learning-68436008894714 (READ-ONLY COPY).

The authoritative reference and input builder live on the scoring server;
editing this copy changes nothing except your own understanding.
"""

import jax, jax.numpy as jnp
import numpy as np

N = 10000
E = 320000
F = 128
D = 128
G = 64
L = 3

def _xavier(key, shape):
    lim = (6.0 / (shape[0] + shape[1])) ** 0.5
    return jax.random.uniform(key, shape, jnp.float32, -lim, lim)

def setup_inputs(seed: int = 0):
    key = jax.random.key(seed)
    ks = jax.random.split(key, 24)
    inp = {}
    inp["x"] = jax.random.normal(ks[0], (N, F), jnp.float32)
    inp["edge_index"] = jax.random.randint(ks[1], (2, E), 0, N)
    inp["batch"] = jnp.sort(jax.random.randint(ks[2], (N,), 0, G))
    inp["pre_W"] = _xavier(ks[3], (F, D))
    inp["pre_b"] = jnp.zeros((D,), jnp.float32)
    for i in range(L):
        inp["w1_%d" % i] = _xavier(ks[4 + 2 * i], (D, D))
        inp["w2_%d" % i] = _xavier(ks[5 + 2 * i], (D, D))
        inp["g_%d" % i] = jnp.ones((D,), jnp.float32)
        inp["b_%d" % i] = jnp.zeros((D,), jnp.float32)
    M = D * L
    inp["ff1"] = _xavier(ks[10], (M, M))
    inp["ff2"] = _xavier(ks[11], (M, M))
    inp["ff3"] = _xavier(ks[12], (M, M))
    inp["ffsc"] = _xavier(ks[13], (M, M))
    return inp

def _leaky(v):
    return jnp.where(v >= 0, v, 0.01 * v)

def _bn(v, g, b):
    m = v.mean(0)
    var = v.var(0)
    return (v - m) / jnp.sqrt(var + 1e-4) * g + b

def reference(x, edge_index, batch, pre_W, pre_b, w1_0, w2_0, g_0, b_0, w1_1, w2_1, g_1, b_1, w1_2, w2_2, g_2, b_2, ff1, ff2, ff3, ffsc):
    src, dst = edge_index[0], edge_index[1]
    h = x @ pre_W + pre_b
    layers = [(w1_0, w2_0, g_0, b_0), (w1_1, w2_1, g_1, b_1), (w1_2, w2_2, g_2, b_2)]
    xs = []
    for (w1, w2, g, b) in layers:
        agg = jax.ops.segment_sum(h[src], dst, num_segments=N)
        z = h + agg  # GIN with eps=0: (1+eps)*x + sum_neighbors
        z = _leaky(z @ w1) @ w2
        z = _bn(z, g, b)
        xs.append(z)
        h = z
    y = jnp.concatenate([jax.ops.segment_sum(xi, batch, num_segments=G) for xi in xs], axis=1)
    blk = _leaky(_leaky(_leaky(y @ ff1) @ ff2) @ ff3)
    return blk + y @ ffsc

if __name__ == "__main__":
    import jax
    _d = setup_inputs()
    print(jax.jit(kernel)(*tuple(_d.values())))

</pallas_src>

<mosaic_0001>
#map = affine_map<(d0, d1) -> (0, 0)>
#map1 = affine_map<(d0, d1) -> (0, 0, 0)>
module attributes {stable_mosaic.version = 14 : i64} {
  func.func @agg(%arg0: i32, %arg1: i32, %arg2: memref<10000x128xf32, #tpu.memory_space<hbm>>, %arg3: memref<32x98x128xi32, #tpu.memory_space<hbm>>, %arg4: memref<32x98x128xi32, #tpu.memory_space<hbm>>, %arg5: memref<10112x128xf32, #tpu.memory_space<hbm>>, %arg6: memref<2x10112x128xf32, #tpu.memory_space<hbm>>, %arg7: memref<98x128xi32, #tpu.memory_space<vmem>>, %arg8: memref<98x128xi32, #tpu.memory_space<vmem>>, %arg9: memref<128x128xf32, #tpu.memory_space<vmem>>, %arg10: memref<10112x128xf32, #tpu.memory_space<vmem_shared>>, %arg11: memref<!tpu.dma_semaphore, #tpu.memory_space<semaphore_mem>>) attributes {dimension_semantics = [#tpu.dimension_semantics<core_parallel>, #tpu.dimension_semantics<subcore_parallel>], iteration_bounds = array<i64: 2, 16>, scalar_prefetch = 0 : i64, scratch_operands = 5 : i64, tpu.core_type = #tpu.core_type<sc_vector_subcore>, window_params = [{transform_indices = #map}, {transform_indices = #map1}, {transform_indices = #map1}, {transform_indices = #map}, {transform_indices = #map1}]} {
    %mul3A = arith.constant 16 : i32
    %mul3A_0 = arith.muli %arg0, %mul3A : i32
    %add3A = arith.addi %mul3A_0, %arg1 : i32
    %mul3A_1 = arith.constant 632 : i32
    %mul3A_2 = arith.muli %arg1, %mul3A_1 : i32
    %mul3A_3 = arith.constant 632 : i32
    %mul3A_4 = arith.muli %arg1, %mul3A_3 : i32
    "tpu.region"() ({
      %run_scoped3A = tpu.sem_alloc : memref<!tpu.dma_semaphore, #tpu.memory_space<semaphore_mem>>
      %dma_start3A = arith.constant 0 : i32
      %dma_start3A_22 = tpu.memref_slice %arg10[%mul3A_4, %dma_start3A] : memref<10112x128xf32, #tpu.memory_space<vmem_shared>> -> memref<632x128xf32, #tpu.memory_space<vmem_shared>>
      %dma_start3A_23 = arith.constant 0 : i32
      %dma_start3A_24 = tpu.memref_slice %arg5[%mul3A_2, %dma_start3A_23] : memref<10112x128xf32, #tpu.memory_space<hbm>> -> memref<632x128xf32, #tpu.memory_space<hbm>>
      tpu.enqueue_dma source(%dma_start3A_24 : memref<632x128xf32, #tpu.memory_space<hbm>>) target(%dma_start3A_22 : memref<632x128xf32, #tpu.memory_space<vmem_shared>>) target_semaphore(%run_scoped3A : memref<!tpu.dma_semaphore, #tpu.memory_space<semaphore_mem>>)
      %dma_wait3A = arith.constant 0 : i32
      %dma_wait3A_25 = tpu.memref_slice %arg10[%mul3A_4, %dma_wait3A] : memref<10112x128xf32, #tpu.memory_space<vmem_shared>> -> memref<632x128xf32, #tpu.memory_space<vmem_shared>>
      %dma_wait3A_26 = arith.constant 0 : i32
      %dma_wait3A_27 = tpu.memref_slice %arg5[%mul3A_2, %dma_wait3A_26] : memref<10112x128xf32, #tpu.memory_space<hbm>> -> memref<632x128xf32, #tpu.memory_space<hbm>>
      tpu.wait_dma2 semaphore(%run_scoped3A : memref<!tpu.dma_semaphore, #tpu.memory_space<semaphore_mem>>) src(%dma_wait3A_27 : memref<632x128xf32, #tpu.memory_space<hbm>>) dst(%dma_wait3A_25 : memref<632x128xf32, #tpu.memory_space<vmem_shared>>)
      tpu.yield
    }) : () -> ()
    "tpu.region"() ({
      %run_scoped3A = tpu.sem_alloc : memref<!tpu.dma_semaphore, #tpu.memory_space<semaphore_mem>>
      %dma_start3A = arith.constant 0 : i32
      %dma_start3A_22 = arith.constant 0 : i32
      %dma_start3A_23 = tpu.memref_slice %arg3[%add3A, %dma_start3A, %dma_start3A_22] : memref<32x98x128xi32, #tpu.memory_space<hbm>> -> memref<1x98x128xi32, #tpu.memory_space<hbm>>
      %dma_start3A_24 = tpu.memref_squeeze %dma_start3A_23 : memref<1x98x128xi32, #tpu.memory_space<hbm>> -> memref<98x128xi32, #tpu.memory_space<hbm>>
      %dma_start3A_25 = arith.constant 0 : i32
      %dma_start3A_26 = arith.constant 0 : i32
      %dma_start3A_27 = tpu.memref_slice %arg3[%add3A, %dma_start3A_25, %dma_start3A_26] : memref<32x98x128xi32, #tpu.memory_space<hbm>> -> memref<1x98x128xi32, #tpu.memory_space<hbm>>
      %dma_start3A_28 = tpu.memref_squeeze %dma_start3A_27 : memref<1x98x128xi32, #tpu.memory_space<hbm>> -> memref<98x128xi32, #tpu.memory_space<hbm>>
      tpu.enqueue_dma source(%dma_start3A_28 : memref<98x128xi32, #tpu.memory_space<hbm>>) target(%arg7 : memref<98x128xi32, #tpu.memory_space<vmem>>) target_semaphore(%run_scoped3A : memref<!tpu.dma_semaphore, #tpu.memory_space<semaphore_mem>>)
      %dma_wait3A = arith.constant 0 : i32
      %dma_wait3A_29 = arith.constant 0 : i32
      %dma_wait3A_30 = tpu.memref_slice %arg3[%add3A, %dma_wait3A, %dma_wait3A_29] : memref<32x98x128xi32, #tpu.memory_space<hbm>> -> memref<1x98x128xi32, #tpu.memory_space<hbm>>
      %dma_wait3A_31 = tpu.memref_squeeze %dma_wait3A_30 : memref<1x98x128xi32, #tpu.memory_space<hbm>> -> memref<98x128xi32, #tpu.memory_space<hbm>>
      %dma_wait3A_32 = arith.constant 0 : i32
      %dma_wait3A_33 = arith.constant 0 : i32
      %dma_wait3A_34 = tpu.memref_slice %arg3[%add3A, %dma_wait3A_32, %dma_wait3A_33] : memref<32x98x128xi32, #tpu.memory_space<hbm>> -> memref<1x98x128xi32, #tpu.memory_space<hbm>>
      %dma_wait3A_35 = tpu.memref_squeeze %dma_wait3A_34 : memref<1x98x128xi32, #tpu.memory_space<hbm>> -> memref<98x128xi32, #tpu.memory_space<hbm>>
      tpu.wait_dma2 semaphore(%run_scoped3A : memref<!tpu.dma_semaphore, #tpu.memory_space<semaphore_mem>>) src(%dma_wait3A_35 : memref<98x128xi32, #tpu.memory_space<hbm>>) dst(%arg7 : memref<98x128xi32, #tpu.memory_space<vmem>>)
      tpu.yield
    }) : () -> ()
    "tpu.region"() ({
      %run_scoped3A = tpu.sem_alloc : memref<!tpu.dma_semaphore, #tpu.memory_space<semaphore_mem>>
      %dma_start3A = arith.constant 0 : i32
      %dma_start3A_22 = arith.constant 0 : i32
      %dma_start3A_23 = tpu.memref_slice %arg4[%add3A, %dma_start3A, %dma_start3A_22] : memref<32x98x128xi32, #tpu.memory_space<hbm>> -> memref<1x98x128xi32, #tpu.memory_space<hbm>>
      %dma_start3A_24 = tpu.memref_squeeze %dma_start3A_23 : memref<1x98x128xi32, #tpu.memory_space<hbm>> -> memref<98x128xi32, #tpu.memory_space<hbm>>
      %dma_start3A_25 = arith.constant 0 : i32
      %dma_start3A_26 = arith.constant 0 : i32
      %dma_start3A_27 = tpu.memref_slice %arg4[%add3A, %dma_start3A_25, %dma_start3A_26] : memref<32x98x128xi32, #tpu.memory_space<hbm>> -> memref<1x98x128xi32, #tpu.memory_space<hbm>>
      %dma_start3A_28 = tpu.memref_squeeze %dma_start3A_27 : memref<1x98x128xi32, #tpu.memory_space<hbm>> -> memref<98x128xi32, #tpu.memory_space<hbm>>
      tpu.enqueue_dma source(%dma_start3A_28 : memref<98x128xi32, #tpu.memory_space<hbm>>) target(%arg8 : memref<98x128xi32, #tpu.memory_space<vmem>>) target_semaphore(%run_scoped3A : memref<!tpu.dma_semaphore, #tpu.memory_space<semaphore_mem>>)
      %dma_wait3A = arith.constant 0 : i32
      %dma_wait3A_29 = arith.constant 0 : i32
      %dma_wait3A_30 = tpu.memref_slice %arg4[%add3A, %dma_wait3A, %dma_wait3A_29] : memref<32x98x128xi32, #tpu.memory_space<hbm>> -> memref<1x98x128xi32, #tpu.memory_space<hbm>>
      %dma_wait3A_31 = tpu.memref_squeeze %dma_wait3A_30 : memref<1x98x128xi32, #tpu.memory_space<hbm>> -> memref<98x128xi32, #tpu.memory_space<hbm>>
      %dma_wait3A_32 = arith.constant 0 : i32
      %dma_wait3A_33 = arith.constant 0 : i32
      %dma_wait3A_34 = tpu.memref_slice %arg4[%add3A, %dma_wait3A_32, %dma_wait3A_33] : memref<32x98x128xi32, #tpu.memory_space<hbm>> -> memref<1x98x128xi32, #tpu.memory_space<hbm>>
      %dma_wait3A_35 = tpu.memref_squeeze %dma_wait3A_34 : memref<1x98x128xi32, #tpu.memory_space<hbm>> -> memref<98x128xi32, #tpu.memory_space<hbm>>
      tpu.wait_dma2 semaphore(%run_scoped3A : memref<!tpu.dma_semaphore, #tpu.memory_space<semaphore_mem>>) src(%dma_wait3A_35 : memref<98x128xi32, #tpu.memory_space<hbm>>) dst(%arg8 : memref<98x128xi32, #tpu.memory_space<vmem>>)
      tpu.yield
    }) : () -> ()
    %barrier3A = arith.constant 0 : index
    tpu.barrier barrier_id(%barrier3A)
    %eq3A = arith.constant 0 : i32
    %eq3A_5 = arith.cmpi eq, %arg0, %eq3A : i32
    %select_n3A = arith.constant 59 : i32
    %select_n3A_6 = arith.constant 98 : i32
    %select_n3A_7 = arith.select %eq3A_5, %select_n3A_6, %select_n3A : i32
    %while3A = arith.constant 0 : i32
    %while3A_8 = arith.constant 0 : i32
    %while3A_9 = arith.subi %select_n3A_7, %while3A_8 : i32
    %while3A_10 = arith.addi %while3A_8, %while3A_9 : i32
    %while3A_11 = arith.constant 1 : i32
    %while3A_12 = arith.divsi %while3A_9, %while3A_11 : i32
    %while3A_13 = arith.muli %while3A_12, %while3A_11 : i32
    %while3A_14 = arith.addi %while3A_8, %while3A_13 : i32
    %while3A_15 = arith.constant 1 : i32
    scf.for %while3A_22 = %while3A_8 to %while3A_14 step %while3A_15  : i32 {
      %dma_start3A = arith.constant 0 : i32
      %dma_start3A_23 = tpu.memref_slice %arg7[%while3A_22, %dma_start3A] : memref<98x128xi32, #tpu.memory_space<vmem>> -> memref<1x128xi32, #tpu.memory_space<vmem>>
      %dma_start3A_24 = tpu.memref_squeeze %dma_start3A_23 : memref<1x128xi32, #tpu.memory_space<vmem>> -> memref<128xi32, #tpu.memory_space<vmem>>
      %dma_start3A_25 = arith.constant 0 : i32
      %dma_start3A_26 = arith.constant 0 : i32
      %dma_start3A_27 = tpu.memref_slice %arg2[%dma_start3A_25, %dma_start3A_26] : memref<10000x128xf32, #tpu.memory_space<hbm>> -> memref<10000x128xf32, #tpu.memory_space<hbm>>
      tpu.enqueue_indirect_dma source(%dma_start3A_27 : memref<10000x128xf32, #tpu.memory_space<hbm>>) target(%arg9 : memref<128x128xf32, #tpu.memory_space<vmem>>) offsets(%dma_start3A_24 : memref<128xi32, #tpu.memory_space<vmem>>) semaphore(%arg11 : memref<!tpu.dma_semaphore, #tpu.memory_space<semaphore_mem>>)
      %dma_wait3A = arith.constant 0 : i32
      %dma_wait3A_28 = tpu.memref_slice %arg7[%while3A_22, %dma_wait3A] : memref<98x128xi32, #tpu.memory_space<vmem>> -> memref<1x128xi32, #tpu.memory_space<vmem>>
      %dma_wait3A_29 = tpu.memref_squeeze %dma_wait3A_28 : memref<1x128xi32, #tpu.memory_space<vmem>> -> memref<128xi32, #tpu.memory_space<vmem>>
      %dma_wait3A_30 = arith.constant 0 : i32
      %dma_wait3A_31 = arith.constant 0 : i32
      %dma_wait3A_32 = tpu.memref_slice %arg2[%dma_wait3A_30, %dma_wait3A_31] : memref<10000x128xf32, #tpu.memory_space<hbm>> -> memref<10000x128xf32, #tpu.memory_space<hbm>>
      tpu.wait_indirect_dma semaphore(%arg11 : memref<!tpu.dma_semaphore, #tpu.memory_space<semaphore_mem>>) src(%dma_wait3A_32 : memref<10000x128xf32, #tpu.memory_space<hbm>>) dst(%arg9 : memref<128x128xf32, #tpu.memory_space<vmem>>)
      "tpu.region"() ({
        %run_scoped3A = tpu.sem_alloc : memref<!tpu.dma_semaphore, #tpu.memory_space<semaphore_mem>>
        %dma_start3A_33 = arith.constant 0 : i32
        %dma_start3A_34 = tpu.memref_slice %arg8[%while3A_22, %dma_start3A_33] : memref<98x128xi32, #tpu.memory_space<vmem>> -> memref<1x128xi32, #tpu.memory_space<vmem>>
        %dma_start3A_35 = tpu.memref_squeeze %dma_start3A_34 : memref<1x128xi32, #tpu.memory_space<vmem>> -> memref<128xi32, #tpu.memory_space<vmem>>
        %dma_start3A_36 = arith.constant 0 : i32
        %dma_start3A_37 = arith.constant 0 : i32
        %dma_start3A_38 = tpu.memref_slice %arg10[%dma_start3A_36, %dma_start3A_37] : memref<10112x128xf32, #tpu.memory_space<vmem_shared>> -> memref<10112x128xf32, #tpu.memory_space<vmem_shared>>
        tpu.enqueue_indirect_dma source(%arg9 : memref<128x128xf32, #tpu.memory_space<vmem>>) target(%dma_start3A_38 : memref<10112x128xf32, #tpu.memory_space<vmem_shared>>) offsets(%dma_start3A_35 : memref<128xi32, #tpu.memory_space<vmem>>) semaphore(%run_scoped3A : memref<!tpu.dma_semaphore, #tpu.memory_space<semaphore_mem>>) {add = true}
        %dma_wait3A_39 = arith.constant 0 : i32
        %dma_wait3A_40 = tpu.memref_slice %arg8[%while3A_22, %dma_wait3A_39] : memref<98x128xi32, #tpu.memory_space<vmem>> -> memref<1x128xi32, #tpu.memory_space<vmem>>
        %dma_wait3A_41 = tpu.memref_squeeze %dma_wait3A_40 : memref<1x128xi32, #tpu.memory_space<vmem>> -> memref<128xi32, #tpu.memory_space<vmem>>
        %dma_wait3A_42 = arith.constant 0 : i32
        %dma_wait3A_43 = arith.constant 0 : i32
        %dma_wait3A_44 = tpu.memref_slice %arg10[%dma_wait3A_42, %dma_wait3A_43] : memref<10112x128xf32, #tpu.memory_space<vmem_shared>> -> memref<10112x128xf32, #tpu.memory_space<vmem_shared>>
        tpu.wait_indirect_dma semaphore(%run_scoped3A : memref<!tpu.dma_semaphore, #tpu.memory_space<semaphore_mem>>) src(%arg9 : memref<128x128xf32, #tpu.memory_space<vmem>>) dst(%dma_wait3A_44 : memref<10112x128xf32, #tpu.memory_space<vmem_shared>>)
        tpu.yield
      }) : () -> ()
    }
    %while3A_16 = arith.constant 1 : i32
    scf.for %while3A_22 = %while3A_14 to %while3A_10 step %while3A_16  : i32 {
      %dma_start3A = arith.constant 0 : i32
      %dma_start3A_23 = tpu.memref_slice %arg7[%while3A_22, %dma_start3A] : memref<98x128xi32, #tpu.memory_space<vmem>> -> memref<1x128xi32, #tpu.memory_space<vmem>>
      %dma_start3A_24 = tpu.memref_squeeze %dma_start3A_23 : memref<1x128xi32, #tpu.memory_space<vmem>> -> memref<128xi32, #tpu.memory_space<vmem>>
      %dma_start3A_25 = arith.constant 0 : i32
      %dma_start3A_26 = arith.constant 0 : i32
      %dma_start3A_27 = tpu.memref_slice %arg2[%dma_start3A_25, %dma_start3A_26] : memref<10000x128xf32, #tpu.memory_space<hbm>> -> memref<10000x128xf32, #tpu.memory_space<hbm>>
      tpu.enqueue_indirect_dma source(%dma_start3A_27 : memref<10000x128xf32, #tpu.memory_space<hbm>>) target(%arg9 : memref<128x128xf32, #tpu.memory_space<vmem>>) offsets(%dma_start3A_24 : memref<128xi32, #tpu.memory_space<vmem>>) semaphore(%arg11 : memref<!tpu.dma_semaphore, #tpu.memory_space<semaphore_mem>>)
      %dma_wait3A = arith.constant 0 : i32
      %dma_wait3A_28 = tpu.memref_slice %arg7[%while3A_22, %dma_wait3A] : memref<98x128xi32, #tpu.memory_space<vmem>> -> memref<1x128xi32, #tpu.memory_space<vmem>>
      %dma_wait3A_29 = tpu.memref_squeeze %dma_wait3A_28 : memref<1x128xi32, #tpu.memory_space<vmem>> -> memref<128xi32, #tpu.memory_space<vmem>>
      %dma_wait3A_30 = arith.constant 0 : i32
      %dma_wait3A_31 = arith.constant 0 : i32
      %dma_wait3A_32 = tpu.memref_slice %arg2[%dma_wait3A_30, %dma_wait3A_31] : memref<10000x128xf32, #tpu.memory_space<hbm>> -> memref<10000x128xf32, #tpu.memory_space<hbm>>
      tpu.wait_indirect_dma semaphore(%arg11 : memref<!tpu.dma_semaphore, #tpu.memory_space<semaphore_mem>>) src(%dma_wait3A_32 : memref<10000x128xf32, #tpu.memory_space<hbm>>) dst(%arg9 : memref<128x128xf32, #tpu.memory_space<vmem>>)
      "tpu.region"() ({
        %run_scoped3A = tpu.sem_alloc : memref<!tpu.dma_semaphore, #tpu.memory_space<semaphore_mem>>
        %dma_start3A_33 = arith.constant 0 : i32
        %dma_start3A_34 = tpu.memref_slice %arg8[%while3A_22, %dma_start3A_33] : memref<98x128xi32, #tpu.memory_space<vmem>> -> memref<1x128xi32, #tpu.memory_space<vmem>>
        %dma_start3A_35 = tpu.memref_squeeze %dma_start3A_34 : memref<1x128xi32, #tpu.memory_space<vmem>> -> memref<128xi32, #tpu.memory_space<vmem>>
        %dma_start3A_36 = arith.constant 0 : i32
        %dma_start3A_37 = arith.constant 0 : i32
        %dma_start3A_38 = tpu.memref_slice %arg10[%dma_start3A_36, %dma_start3A_37] : memref<10112x128xf32, #tpu.memory_space<vmem_shared>> -> memref<10112x128xf32, #tpu.memory_space<vmem_shared>>
        tpu.enqueue_indirect_dma source(%arg9 : memref<128x128xf32, #tpu.memory_space<vmem>>) target(%dma_start3A_38 : memref<10112x128xf32, #tpu.memory_space<vmem_shared>>) offsets(%dma_start3A_35 : memref<128xi32, #tpu.memory_space<vmem>>) semaphore(%run_scoped3A : memref<!tpu.dma_semaphore, #tpu.memory_space<semaphore_mem>>) {add = true}
        %dma_wait3A_39 = arith.constant 0 : i32
        %dma_wait3A_40 = tpu.memref_slice %arg8[%while3A_22, %dma_wait3A_39] : memref<98x128xi32, #tpu.memory_space<vmem>> -> memref<1x128xi32, #tpu.memory_space<vmem>>
        %dma_wait3A_41 = tpu.memref_squeeze %dma_wait3A_40 : memref<1x128xi32, #tpu.memory_space<vmem>> -> memref<128xi32, #tpu.memory_space<vmem>>
        %dma_wait3A_42 = arith.constant 0 : i32
        %dma_wait3A_43 = arith.constant 0 : i32
        %dma_wait3A_44 = tpu.memref_slice %arg10[%dma_wait3A_42, %dma_wait3A_43] : memref<10112x128xf32, #tpu.memory_space<vmem_shared>> -> memref<10112x128xf32, #tpu.memory_space<vmem_shared>>
        tpu.wait_indirect_dma semaphore(%run_scoped3A : memref<!tpu.dma_semaphore, #tpu.memory_space<semaphore_mem>>) src(%arg9 : memref<128x128xf32, #tpu.memory_space<vmem>>) dst(%dma_wait3A_44 : memref<10112x128xf32, #tpu.memory_space<vmem_shared>>)
        tpu.yield
      }) : () -> ()
    }
    %barrier3A_17 = arith.constant 0 : index
    tpu.barrier barrier_id(%barrier3A_17)
    %mul3A_18 = arith.constant 632 : i32
    %mul3A_19 = arith.muli %arg1, %mul3A_18 : i32
    %mul3A_20 = arith.constant 632 : i32
    %mul3A_21 = arith.muli %arg1, %mul3A_20 : i32
    "tpu.region"() ({
      %run_scoped3A = tpu.sem_alloc : memref<!tpu.dma_semaphore, #tpu.memory_space<semaphore_mem>>
      %dma_start3A = arith.constant 0 : i32
      %dma_start3A_22 = tpu.memref_slice %arg6[%arg0, %mul3A_21, %dma_start3A] : memref<2x10112x128xf32, #tpu.memory_space<hbm>> -> memref<1x632x128xf32, #tpu.memory_space<hbm>>
      %dma_start3A_23 = tpu.memref_squeeze %dma_start3A_22 : memref<1x632x128xf32, #tpu.memory_space<hbm>> -> memref<632x128xf32, #tpu.memory_space<hbm>>
      %dma_start3A_24 = arith.constant 0 : i32
      %dma_start3A_25 = tpu.memref_slice %arg10[%mul3A_19, %dma_start3A_24] : memref<10112x128xf32, #tpu.memory_space<vmem_shared>> -> memref<632x128xf32, #tpu.memory_space<vmem_shared>>
      tpu.enqueue_dma source(%dma_start3A_25 : memref<632x128xf32, #tpu.memory_space<vmem_shared>>) target(%dma_start3A_23 : memref<632x128xf32, #tpu.memory_space<hbm>>) target_semaphore(%run_scoped3A : memref<!tpu.dma_semaphore, #tpu.memory_space<semaphore_mem>>)
      %dma_wait3A = arith.constant 0 : i32
      %dma_wait3A_26 = tpu.memref_slice %arg6[%arg0, %mul3A_21, %dma_wait3A] : memref<2x10112x128xf32, #tpu.memory_space<hbm>> -> memref<1x632x128xf32, #tpu.memory_space<hbm>>
      %dma_wait3A_27 = tpu.memref_squeeze %dma_wait3A_26 : memref<1x632x128xf32, #tpu.memory_space<hbm>> -> memref<632x128xf32, #tpu.memory_space<hbm>>
      %dma_wait3A_28 = arith.constant 0 : i32
      %dma_wait3A_29 = tpu.memref_slice %arg10[%mul3A_19, %dma_wait3A_28] : memref<10112x128xf32, #tpu.memory_space<vmem_shared>> -> memref<632x128xf32, #tpu.memory_space<vmem_shared>>
      tpu.wait_dma2 semaphore(%run_scoped3A : memref<!tpu.dma_semaphore, #tpu.memory_space<semaphore_mem>>) src(%dma_wait3A_29 : memref<632x128xf32, #tpu.memory_space<vmem_shared>>) dst(%dma_wait3A_27 : memref<632x128xf32, #tpu.memory_space<hbm>>)
      tpu.yield
    }) : () -> ()
    return
  }
}

#map = affine_map<(d0, d1) -> (0, 0)>
#map1 = affine_map<(d0, d1) -> (0, 0, 0)>
module attributes {stable_mosaic.version = 14 : i64} {
  func.func @agg(%arg0: i32, %arg1: i32, %arg2: memref<10000x128xf32, #tpu.memory_space<hbm>>, %arg3: memref<32x98x128xi32, #tpu.memory_space<hbm>>, %arg4: memref<32x98x128xi32, #tpu.memory_space<hbm>>, %arg5: memref<10112x128xf32, #tpu.memory_space<hbm>>, %arg6: memref<2x10112x128xf32, #tpu.memory_space<hbm>>, %arg7: memref<98x128xi32, #tpu.memory_space<vmem>>, %arg8: memref<98x128xi32, #tpu.memory_space<vmem>>, %arg9: memref<128x128xf32, #tpu.memory_space<vmem>>, %arg10: memref<10112x128xf32, #tpu.memory_space<vmem_shared>>, %arg11: memref<!tpu.dma_semaphore, #tpu.memory_space<semaphore_mem>>) attributes {dimension_semantics = [#tpu.dimension_semantics<core_parallel>, #tpu.dimension_semantics<subcore_parallel>], iteration_bounds = array<i64: 2, 16>, scalar_prefetch = 0 : i64, scratch_operands = 5 : i64, tpu.core_type = #tpu.core_type<sc_vector_subcore>, window_params = [{transform_indices = #map}, {transform_indices = #map1}, {transform_indices = #map1}, {transform_indices = #map}, {transform_indices = #map1}]} {
    %mul3A = arith.constant 16 : i32
    %mul3A_0 = arith.muli %arg0, %mul3A : i32
    %add3A = arith.addi %mul3A_0, %arg1 : i32
    %mul3A_1 = arith.constant 632 : i32
    %mul3A_2 = arith.muli %arg1, %mul3A_1 : i32
    %mul3A_3 = arith.constant 632 : i32
    %mul3A_4 = arith.muli %arg1, %mul3A_3 : i32
    "tpu.region"() ({
      %run_scoped3A = tpu.sem_alloc : memref<!tpu.dma_semaphore, #tpu.memory_space<semaphore_mem>>
      %dma_start3A = arith.constant 0 : i32
      %dma_start3A_22 = tpu.memref_slice %arg10[%mul3A_4, %dma_start3A] : memref<10112x128xf32, #tpu.memory_space<vmem_shared>> -> memref<632x128xf32, #tpu.memory_space<vmem_shared>>
      %dma_start3A_23 = arith.constant 0 : i32
      %dma_start3A_24 = tpu.memref_slice %arg5[%mul3A_2, %dma_start3A_23] : memref<10112x128xf32, #tpu.memory_space<hbm>> -> memref<632x128xf32, #tpu.memory_space<hbm>>
      tpu.enqueue_dma source(%dma_start3A_24 : memref<632x128xf32, #tpu.memory_space<hbm>>) target(%dma_start3A_22 : memref<632x128xf32, #tpu.memory_space<vmem_shared>>) target_semaphore(%run_scoped3A : memref<!tpu.dma_semaphore, #tpu.memory_space<semaphore_mem>>)
      %dma_wait3A = arith.constant 0 : i32
      %dma_wait3A_25 = tpu.memref_slice %arg10[%mul3A_4, %dma_wait3A] : memref<10112x128xf32, #tpu.memory_space<vmem_shared>> -> memref<632x128xf32, #tpu.memory_space<vmem_shared>>
      %dma_wait3A_26 = arith.constant 0 : i32
      %dma_wait3A_27 = tpu.memref_slice %arg5[%mul3A_2, %dma_wait3A_26] : memref<10112x128xf32, #tpu.memory_space<hbm>> -> memref<632x128xf32, #tpu.memory_space<hbm>>
      tpu.wait_dma2 semaphore(%run_scoped3A : memref<!tpu.dma_semaphore, #tpu.memory_space<semaphore_mem>>) src(%dma_wait3A_27 : memref<632x128xf32, #tpu.memory_space<hbm>>) dst(%dma_wait3A_25 : memref<632x128xf32, #tpu.memory_space<vmem_shared>>)
      tpu.yield
    }) : () -> ()
    "tpu.region"() ({
      %run_scoped3A = tpu.sem_alloc : memref<!tpu.dma_semaphore, #tpu.memory_space<semaphore_mem>>
      %dma_start3A = arith.constant 0 : i32
      %dma_start3A_22 = arith.constant 0 : i32
      %dma_start3A_23 = tpu.memref_slice %arg3[%add3A, %dma_start3A, %dma_start3A_22] : memref<32x98x128xi32, #tpu.memory_space<hbm>> -> memref<1x98x128xi32, #tpu.memory_space<hbm>>
      %dma_start3A_24 = tpu.memref_squeeze %dma_start3A_23 : memref<1x98x128xi32, #tpu.memory_space<hbm>> -> memref<98x128xi32, #tpu.memory_space<hbm>>
      %dma_start3A_25 = arith.constant 0 : i32
      %dma_start3A_26 = arith.constant 0 : i32
      %dma_start3A_27 = tpu.memref_slice %arg3[%add3A, %dma_start3A_25, %dma_start3A_26] : memref<32x98x128xi32, #tpu.memory_space<hbm>> -> memref<1x98x128xi32, #tpu.memory_space<hbm>>
      %dma_start3A_28 = tpu.memref_squeeze %dma_start3A_27 : memref<1x98x128xi32, #tpu.memory_space<hbm>> -> memref<98x128xi32, #tpu.memory_space<hbm>>
      tpu.enqueue_dma source(%dma_start3A_28 : memref<98x128xi32, #tpu.memory_space<hbm>>) target(%arg7 : memref<98x128xi32, #tpu.memory_space<vmem>>) target_semaphore(%run_scoped3A : memref<!tpu.dma_semaphore, #tpu.memory_space<semaphore_mem>>)
      %dma_wait3A = arith.constant 0 : i32
      %dma_wait3A_29 = arith.constant 0 : i32
      %dma_wait3A_30 = tpu.memref_slice %arg3[%add3A, %dma_wait3A, %dma_wait3A_29] : memref<32x98x128xi32, #tpu.memory_space<hbm>> -> memref<1x98x128xi32, #tpu.memory_space<hbm>>
      %dma_wait3A_31 = tpu.memref_squeeze %dma_wait3A_30 : memref<1x98x128xi32, #tpu.memory_space<hbm>> -> memref<98x128xi32, #tpu.memory_space<hbm>>
      %dma_wait3A_32 = arith.constant 0 : i32
      %dma_wait3A_33 = arith.constant 0 : i32
      %dma_wait3A_34 = tpu.memref_slice %arg3[%add3A, %dma_wait3A_32, %dma_wait3A_33] : memref<32x98x128xi32, #tpu.memory_space<hbm>> -> memref<1x98x128xi32, #tpu.memory_space<hbm>>
      %dma_wait3A_35 = tpu.memref_squeeze %dma_wait3A_34 : memref<1x98x128xi32, #tpu.memory_space<hbm>> -> memref<98x128xi32, #tpu.memory_space<hbm>>
      tpu.wait_dma2 semaphore(%run_scoped3A : memref<!tpu.dma_semaphore, #tpu.memory_space<semaphore_mem>>) src(%dma_wait3A_35 : memref<98x128xi32, #tpu.memory_space<hbm>>) dst(%arg7 : memref<98x128xi32, #tpu.memory_space<vmem>>)
      tpu.yield
    }) : () -> ()
    "tpu.region"() ({
      %run_scoped3A = tpu.sem_alloc : memref<!tpu.dma_semaphore, #tpu.memory_space<semaphore_mem>>
      %dma_start3A = arith.constant 0 : i32
      %dma_start3A_22 = arith.constant 0 : i32
      %dma_start3A_23 = tpu.memref_slice %arg4[%add3A, %dma_start3A, %dma_start3A_22] : memref<32x98x128xi32, #tpu.memory_space<hbm>> -> memref<1x98x128xi32, #tpu.memory_space<hbm>>
      %dma_start3A_24 = tpu.memref_squeeze %dma_start3A_23 : memref<1x98x128xi32, #tpu.memory_space<hbm>> -> memref<98x128xi32, #tpu.memory_space<hbm>>
      %dma_start3A_25 = arith.constant 0 : i32
      %dma_start3A_26 = arith.constant 0 : i32
      %dma_start3A_27 = tpu.memref_slice %arg4[%add3A, %dma_start3A_25, %dma_start3A_26] : memref<32x98x128xi32, #tpu.memory_space<hbm>> -> memref<1x98x128xi32, #tpu.memory_space<hbm>>
      %dma_start3A_28 = tpu.memref_squeeze %dma_start3A_27 : memref<1x98x128xi32, #tpu.memory_space<hbm>> -> memref<98x128xi32, #tpu.memory_space<hbm>>
      tpu.enqueue_dma source(%dma_start3A_28 : memref<98x128xi32, #tpu.memory_space<hbm>>) target(%arg8 : memref<98x128xi32, #tpu.memory_space<vmem>>) target_semaphore(%run_scoped3A : memref<!tpu.dma_semaphore, #tpu.memory_space<semaphore_mem>>)
      %dma_wait3A = arith.constant 0 : i32
      %dma_wait3A_29 = arith.constant 0 : i32
      %dma_wait3A_30 = tpu.memref_slice %arg4[%add3A, %dma_wait3A, %dma_wait3A_29] : memref<32x98x128xi32, #tpu.memory_space<hbm>> -> memref<1x98x128xi32, #tpu.memory_space<hbm>>
      %dma_wait3A_31 = tpu.memref_squeeze %dma_wait3A_30 : memref<1x98x128xi32, #tpu.memory_space<hbm>> -> memref<98x128xi32, #tpu.memory_space<hbm>>
      %dma_wait3A_32 = arith.constant 0 : i32
      %dma_wait3A_33 = arith.constant 0 : i32
      %dma_wait3A_34 = tpu.memref_slice %arg4[%add3A, %dma_wait3A_32, %dma_wait3A_33] : memref<32x98x128xi32, #tpu.memory_space<hbm>> -> memref<1x98x128xi32, #tpu.memory_space<hbm>>
      %dma_wait3A_35 = tpu.memref_squeeze %dma_wait3A_34 : memref<1x98x128xi32, #tpu.memory_space<hbm>> -> memref<98x128xi32, #tpu.memory_space<hbm>>
      tpu.wait_dma2 semaphore(%run_scoped3A : memref<!tpu.dma_semaphore, #tpu.memory_space<semaphore_mem>>) src(%dma_wait3A_35 : memref<98x128xi32, #tpu.memory_space<hbm>>) dst(%arg8 : memref<98x128xi32, #tpu.memory_space<vmem>>)
      tpu.yield
    }) : () -> ()
    %barrier3A = arith.constant 0 : index
    tpu.barrier barrier_id(%barrier3A)
    %eq3A = arith.constant 0 : i32
    %eq3A_5 = arith.cmpi eq, %arg0, %eq3A : i32
    %select_n3A = arith.constant 59 : i32
    %select_n3A_6 = arith.constant 98 : i32
    %select_n3A_7 = arith.select %eq3A_5, %select_n3A_6, %select_n3A : i32
    %while3A = arith.constant 0 : i32
    %while3A_8 = arith.constant 0 : i32
    %while3A_9 = arith.subi %select_n3A_7, %while3A_8 : i32
    %while3A_10 = arith.addi %while3A_8, %while3A_9 : i32
    %while3A_11 = arith.constant 1 : i32
    %while3A_12 = arith.divsi %while3A_9, %while3A_11 : i32
    %while3A_13 = arith.muli %while3A_12, %while3A_11 : i32
    %while3A_14 = arith.addi %while3A_8, %while3A_13 : i32
    %while3A_15 = arith.constant 1 : i32
    scf.for %while3A_22 = %while3A_8 to %while3A_14 step %while3A_15  : i32 {
      %dma_start3A = arith.constant 0 : i32
      %dma_start3A_23 = tpu.memref_slice %arg7[%while3A_22, %dma_start3A] : memref<98x128xi32, #tpu.memory_space<vmem>> -> memref<1x128xi32, #tpu.memory_space<vmem>>
      %dma_start3A_24 = tpu.memref_squeeze %dma_start3A_23 : memref<1x128xi32, #tpu.memory_space<vmem>> -> memref<128xi32, #tpu.memory_space<vmem>>
      %dma_start3A_25 = arith.constant 0 : i32
      %dma_start3A_26 = arith.constant 0 : i32
      %dma_start3A_27 = tpu.memref_slice %arg2[%dma_start3A_25, %dma_start3A_26] : memref<10000x128xf32, #tpu.memory_space<hbm>> -> memref<10000x128xf32, #tpu.memory_space<hbm>>
      tpu.enqueue_indirect_dma source(%dma_start3A_27 : memref<10000x128xf32, #tpu.memory_space<hbm>>) target(%arg9 : memref<128x128xf32, #tpu.memory_space<vmem>>) offsets(%dma_start3A_24 : memref<128xi32, #tpu.memory_space<vmem>>) semaphore(%arg11 : memref<!tpu.dma_semaphore, #tpu.memory_space<semaphore_mem>>)
      %dma_wait3A = arith.constant 0 : i32
      %dma_wait3A_28 = tpu.memref_slice %arg7[%while3A_22, %dma_wait3A] : memref<98x128xi32, #tpu.memory_space<vmem>> -> memref<1x128xi32, #tpu.memory_space<vmem>>
      %dma_wait3A_29 = tpu.memref_squeeze %dma_wait3A_28 : memref<1x128xi32, #tpu.memory_space<vmem>> -> memref<128xi32, #tpu.memory_space<vmem>>
      %dma_wait3A_30 = arith.constant 0 : i32
      %dma_wait3A_31 = arith.constant 0 : i32
      %dma_wait3A_32 = tpu.memref_slice %arg2[%dma_wait3A_30, %dma_wait3A_31] : memref<10000x128xf32, #tpu.memory_space<hbm>> -> memref<10000x128xf32, #tpu.memory_space<hbm>>
      tpu.wait_indirect_dma semaphore(%arg11 : memref<!tpu.dma_semaphore, #tpu.memory_space<semaphore_mem>>) src(%dma_wait3A_32 : memref<10000x128xf32, #tpu.memory_space<hbm>>) dst(%arg9 : memref<128x128xf32, #tpu.memory_space<vmem>>)
      "tpu.region"() ({
        %run_scoped3A = tpu.sem_alloc : memref<!tpu.dma_semaphore, #tpu.memory_space<semaphore_mem>>
        %dma_start3A_33 = arith.constant 0 : i32
        %dma_start3A_34 = tpu.memref_slice %arg8[%while3A_22, %dma_start3A_33] : memref<98x128xi32, #tpu.memory_space<vmem>> -> memref<1x128xi32, #tpu.memory_space<vmem>>
        %dma_start3A_35 = tpu.memref_squeeze %dma_start3A_34 : memref<1x128xi32, #tpu.memory_space<vmem>> -> memref<128xi32, #tpu.memory_space<vmem>>
        %dma_start3A_36 = arith.constant 0 : i32
        %dma_start3A_37 = arith.constant 0 : i32
        %dma_start3A_38 = tpu.memref_slice %arg10[%dma_start3A_36, %dma_start3A_37] : memref<10112x128xf32, #tpu.memory_space<vmem_shared>> -> memref<10112x128xf32, #tpu.memory_space<vmem_shared>>
        tpu.enqueue_indirect_dma source(%arg9 : memref<128x128xf32, #tpu.memory_space<vmem>>) target(%dma_start3A_38 : memref<10112x128xf32, #tpu.memory_space<vmem_shared>>) offsets(%dma_start3A_35 : memref<128xi32, #tpu.memory_space<vmem>>) semaphore(%run_scoped3A : memref<!tpu.dma_semaphore, #tpu.memory_space<semaphore_mem>>) {add = true}
        %dma_wait3A_39 = arith.constant 0 : i32
        %dma_wait3A_40 = tpu.memref_slice %arg8[%while3A_22, %dma_wait3A_39] : memref<98x128xi32, #tpu.memory_space<vmem>> -> memref<1x128xi32, #tpu.memory_space<vmem>>
        %dma_wait3A_41 = tpu.memref_squeeze %dma_wait3A_40 : memref<1x128xi32, #tpu.memory_space<vmem>> -> memref<128xi32, #tpu.memory_space<vmem>>
        %dma_wait3A_42 = arith.constant 0 : i32
        %dma_wait3A_43 = arith.constant 0 : i32
        %dma_wait3A_44 = tpu.memref_slice %arg10[%dma_wait3A_42, %dma_wait3A_43] : memref<10112x128xf32, #tpu.memory_space<vmem_shared>> -> memref<10112x128xf32, #tpu.memory_space<vmem_shared>>
        tpu.wait_indirect_dma semaphore(%run_scoped3A : memref<!tpu.dma_semaphore, #tpu.memory_space<semaphore_mem>>) src(%arg9 : memref<128x128xf32, #tpu.memory_space<vmem>>) dst(%dma_wait3A_44 : memref<10112x128xf32, #tpu.memory_space<vmem_shared>>)
        tpu.yield
      }) : () -> ()
    }
    %while3A_16 = arith.constant 1 : i32
    scf.for %while3A_22 = %while3A_14 to %while3A_10 step %while3A_16  : i32 {
      %dma_start3A = arith.constant 0 : i32
      %dma_start3A_23 = tpu.memref_slice %arg7[%while3A_22, %dma_start3A] : memref<98x128xi32, #tpu.memory_space<vmem>> -> memref<1x128xi32, #tpu.memory_space<vmem>>
      %dma_start3A_24 = tpu.memref_squeeze %dma_start3A_23 : memref<1x128xi32, #tpu.memory_space<vmem>> -> memref<128xi32, #tpu.memory_space<vmem>>
      %dma_start3A_25 = arith.constant 0 : i32
      %dma_start3A_26 = arith.constant 0 : i32
      %dma_start3A_27 = tpu.memref_slice %arg2[%dma_start3A_25, %dma_start3A_26] : memref<10000x128xf32, #tpu.memory_space<hbm>> -> memref<10000x128xf32, #tpu.memory_space<hbm>>
      tpu.enqueue_indirect_dma source(%dma_start3A_27 : memref<10000x128xf32, #tpu.memory_space<hbm>>) target(%arg9 : memref<128x128xf32, #tpu.memory_space<vmem>>) offsets(%dma_start3A_24 : memref<128xi32, #tpu.memory_space<vmem>>) semaphore(%arg11 : memref<!tpu.dma_semaphore, #tpu.memory_space<semaphore_mem>>)
      %dma_wait3A = arith.constant 0 : i32
      %dma_wait3A_28 = tpu.memref_slice %arg7[%while3A_22, %dma_wait3A] : memref<98x128xi32, #tpu.memory_space<vmem>> -> memref<1x128xi32, #tpu.memory_space<vmem>>
      %dma_wait3A_29 = tpu.memref_squeeze %dma_wait3A_28 : memref<1x128xi32, #tpu.memory_space<vmem>> -> memref<128xi32, #tpu.memory_space<vmem>>
      %dma_wait3A_30 = arith.constant 0 : i32
      %dma_wait3A_31 = arith.constant 0 : i32
      %dma_wait3A_32 = tpu.memref_slice %arg2[%dma_wait3A_30, %dma_wait3A_31] : memref<10000x128xf32, #tpu.memory_space<hbm>> -> memref<10000x128xf32, #tpu.memory_space<hbm>>
      tpu.wait_indirect_dma semaphore(%arg11 : memref<!tpu.dma_semaphore, #tpu.memory_space<semaphore_mem>>) src(%dma_wait3A_32 : memref<10000x128xf32, #tpu.memory_space<hbm>>) dst(%arg9 : memref<128x128xf32, #tpu.memory_space<vmem>>)
      "tpu.region"() ({
        %run_scoped3A = tpu.sem_alloc : memref<!tpu.dma_semaphore, #tpu.memory_space<semaphore_mem>>
        %dma_start3A_33 = arith.constant 0 : i32
        %dma_start3A_34 = tpu.memref_slice %arg8[%while3A_22, %dma_start3A_33] : memref<98x128xi32, #tpu.memory_space<vmem>> -> memref<1x128xi32, #tpu.memory_space<vmem>>
        %dma_start3A_35 = tpu.memref_squeeze %dma_start3A_34 : memref<1x128xi32, #tpu.memory_space<vmem>> -> memref<128xi32, #tpu.memory_space<vmem>>
        %dma_start3A_36 = arith.constant 0 : i32
        %dma_start3A_37 = arith.constant 0 : i32
        %dma_start3A_38 = tpu.memref_slice %arg10[%dma_start3A_36, %dma_start3A_37] : memref<10112x128xf32, #tpu.memory_space<vmem_shared>> -> memref<10112x128xf32, #tpu.memory_space<vmem_shared>>
        tpu.enqueue_indirect_dma source(%arg9 : memref<128x128xf32, #tpu.memory_space<vmem>>) target(%dma_start3A_38 : memref<10112x128xf32, #tpu.memory_space<vmem_shared>>) offsets(%dma_start3A_35 : memref<128xi32, #tpu.memory_space<vmem>>) semaphore(%run_scoped3A : memref<!tpu.dma_semaphore, #tpu.memory_space<semaphore_mem>>) {add = true}
        %dma_wait3A_39 = arith.constant 0 : i32
        %dma_wait3A_40 = tpu.memref_slice %arg8[%while3A_22, %dma_wait3A_39] : memref<98x128xi32, #tpu.memory_space<vmem>> -> memref<1x128xi32, #tpu.memory_space<vmem>>
        %dma_wait3A_41 = tpu.memref_squeeze %dma_wait3A_40 : memref<1x128xi32, #tpu.memory_space<vmem>> -> memref<128xi32, #tpu.memory_space<vmem>>
        %dma_wait3A_42 = arith.constant 0 : i32
        %dma_wait3A_43 = arith.constant 0 : i32
        %dma_wait3A_44 = tpu.memref_slice %arg10[%dma_wait3A_42, %dma_wait3A_43] : memref<10112x128xf32, #tpu.memory_space<vmem_shared>> -> memref<10112x128xf32, #tpu.memory_space<vmem_shared>>
        tpu.wait_indirect_dma semaphore(%run_scoped3A : memref<!tpu.dma_semaphore, #tpu.memory_space<semaphore_mem>>) src(%arg9 : memref<128x128xf32, #tpu.memory_space<vmem>>) dst(%dma_wait3A_44 : memref<10112x128xf32, #tpu.memory_space<vmem_shared>>)
        tpu.yield
      }) : () -> ()
    }
    %barrier3A_17 = arith.constant 0 : index
    tpu.barrier barrier_id(%barrier3A_17)
    %mul3A_18 = arith.constant 632 : i32
    %mul3A_19 = arith.muli %arg1, %mul3A_18 : i32
    %mul3A_20 = arith.constant 632 : i32
    %mul3A_21 = arith.muli %arg1, %mul3A_20 : i32
    "tpu.region"() ({
      %run_scoped3A = tpu.sem_alloc : memref<!tpu.dma_semaphore, #tpu.memory_space<semaphore_mem>>
      %dma_start3A = arith.constant 0 : i32
      %dma_start3A_22 = tpu.memref_slice %arg6[%arg0, %mul3A_21, %dma_start3A] : memref<2x10112x128xf32, #tpu.memory_space<hbm>> -> memref<1x632x128xf32, #tpu.memory_space<hbm>>
      %dma_start3A_23 = tpu.memref_squeeze %dma_start3A_22 : memref<1x632x128xf32, #tpu.memory_space<hbm>> -> memref<632x128xf32, #tpu.memory_space<hbm>>
      %dma_start3A_24 = arith.constant 0 : i32
      %dma_start3A_25 = tpu.memref_slice %arg10[%mul3A_19, %dma_start3A_24] : memref<10112x128xf32, #tpu.memory_space<vmem_shared>> -> memref<632x128xf32, #tpu.memory_space<vmem_shared>>
      tpu.enqueue_dma source(%dma_start3A_25 : memref<632x128xf32, #tpu.memory_space<vmem_shared>>) target(%dma_start3A_23 : memref<632x128xf32, #tpu.memory_space<hbm>>) target_semaphore(%run_scoped3A : memref<!tpu.dma_semaphore, #tpu.memory_space<semaphore_mem>>)
      %dma_wait3A = arith.constant 0 : i32
      %dma_wait3A_26 = tpu.memref_slice %arg6[%arg0, %mul3A_21, %dma_wait3A] : memref<2x10112x128xf32, #tpu.memory_space<hbm>> -> memref<1x632x128xf32, #tpu.memory_space<hbm>>
      %dma_wait3A_27 = tpu.memref_squeeze %dma_wait3A_26 : memref<1x632x128xf32, #tpu.memory_space<hbm>> -> memref<632x128xf32, #tpu.memory_space<hbm>>
      %dma_wait3A_28 = arith.constant 0 : i32
      %dma_wait3A_29 = tpu.memref_slice %arg10[%mul3A_19, %dma_wait3A_28] : memref<10112x128xf32, #tpu.memory_space<vmem_shared>> -> memref<632x128xf32, #tpu.memory_space<vmem_shared>>
      tpu.wait_dma2 semaphore(%run_scoped3A : memref<!tpu.dma_semaphore, #tpu.memory_space<semaphore_mem>>) src(%dma_wait3A_29 : memref<632x128xf32, #tpu.memory_space<vmem_shared>>) dst(%dma_wait3A_27 : memref<632x128xf32, #tpu.memory_space<hbm>>)
      tpu.yield
    }) : () -> ()
    return
  }
}

#map = affine_map<(d0, d1) -> (0, 0)>
#map1 = affine_map<(d0, d1) -> (0, 0, 0)>
module attributes {stable_mosaic.version = 14 : i64} {
  func.func @agg(%arg0: i32, %arg1: i32, %arg2: memref<10000x128xf32, #tpu.memory_space<hbm>>, %arg3: memref<32x98x128xi32, #tpu.memory_space<hbm>>, %arg4: memref<32x98x128xi32, #tpu.memory_space<hbm>>, %arg5: memref<10112x128xf32, #tpu.memory_space<hbm>>, %arg6: memref<2x10112x128xf32, #tpu.memory_space<hbm>>, %arg7: memref<98x128xi32, #tpu.memory_space<vmem>>, %arg8: memref<98x128xi32, #tpu.memory_space<vmem>>, %arg9: memref<128x128xf32, #tpu.memory_space<vmem>>, %arg10: memref<10112x128xf32, #tpu.memory_space<vmem_shared>>, %arg11: memref<!tpu.dma_semaphore, #tpu.memory_space<semaphore_mem>>) attributes {dimension_semantics = [#tpu.dimension_semantics<core_parallel>, #tpu.dimension_semantics<subcore_parallel>], iteration_bounds = array<i64: 2, 16>, scalar_prefetch = 0 : i64, scratch_operands = 5 : i64, tpu.core_type = #tpu.core_type<sc_vector_subcore>, window_params = [{transform_indices = #map}, {transform_indices = #map1}, {transform_indices = #map1}, {transform_indices = #map}, {transform_indices = #map1}]} {
    %mul3A = arith.constant 16 : i32
    %mul3A_0 = arith.muli %arg0, %mul3A : i32
    %add3A = arith.addi %mul3A_0, %arg1 : i32
    %mul3A_1 = arith.constant 632 : i32
    %mul3A_2 = arith.muli %arg1, %mul3A_1 : i32
    %mul3A_3 = arith.constant 632 : i32
    %mul3A_4 = arith.muli %arg1, %mul3A_3 : i32
    "tpu.region"() ({
      %run_scoped3A = tpu.sem_alloc : memref<!tpu.dma_semaphore, #tpu.memory_space<semaphore_mem>>
      %dma_start3A = arith.constant 0 : i32
      %dma_start3A_22 = tpu.memref_slice %arg10[%mul3A_4, %dma_start3A] : memref<10112x128xf32, #tpu.memory_space<vmem_shared>> -> memref<632x128xf32, #tpu.memory_space<vmem_shared>>
      %dma_start3A_23 = arith.constant 0 : i32
      %dma_start3A_24 = tpu.memref_slice %arg5[%mul3A_2, %dma_start3A_23] : memref<10112x128xf32, #tpu.memory_space<hbm>> -> memref<632x128xf32, #tpu.memory_space<hbm>>
      tpu.enqueue_dma source(%dma_start3A_24 : memref<632x128xf32, #tpu.memory_space<hbm>>) target(%dma_start3A_22 : memref<632x128xf32, #tpu.memory_space<vmem_shared>>) target_semaphore(%run_scoped3A : memref<!tpu.dma_semaphore, #tpu.memory_space<semaphore_mem>>)
      %dma_wait3A = arith.constant 0 : i32
      %dma_wait3A_25 = tpu.memref_slice %arg10[%mul3A_4, %dma_wait3A] : memref<10112x128xf32, #tpu.memory_space<vmem_shared>> -> memref<632x128xf32, #tpu.memory_space<vmem_shared>>
      %dma_wait3A_26 = arith.constant 0 : i32
      %dma_wait3A_27 = tpu.memref_slice %arg5[%mul3A_2, %dma_wait3A_26] : memref<10112x128xf32, #tpu.memory_space<hbm>> -> memref<632x128xf32, #tpu.memory_space<hbm>>
      tpu.wait_dma2 semaphore(%run_scoped3A : memref<!tpu.dma_semaphore, #tpu.memory_space<semaphore_mem>>) src(%dma_wait3A_27 : memref<632x128xf32, #tpu.memory_space<hbm>>) dst(%dma_wait3A_25 : memref<632x128xf32, #tpu.memory_space<vmem_shared>>)
      tpu.yield
    }) : () -> ()
    "tpu.region"() ({
      %run_scoped3A = tpu.sem_alloc : memref<!tpu.dma_semaphore, #tpu.memory_space<semaphore_mem>>
      %dma_start3A = arith.constant 0 : i32
      %dma_start3A_22 = arith.constant 0 : i32
      %dma_start3A_23 = tpu.memref_slice %arg3[%add3A, %dma_start3A, %dma_start3A_22] : memref<32x98x128xi32, #tpu.memory_space<hbm>> -> memref<1x98x128xi32, #tpu.memory_space<hbm>>
      %dma_start3A_24 = tpu.memref_squeeze %dma_start3A_23 : memref<1x98x128xi32, #tpu.memory_space<hbm>> -> memref<98x128xi32, #tpu.memory_space<hbm>>
      %dma_start3A_25 = arith.constant 0 : i32
      %dma_start3A_26 = arith.constant 0 : i32
      %dma_start3A_27 = tpu.memref_slice %arg3[%add3A, %dma_start3A_25, %dma_start3A_26] : memref<32x98x128xi32, #tpu.memory_space<hbm>> -> memref<1x98x128xi32, #tpu.memory_space<hbm>>
      %dma_start3A_28 = tpu.memref_squeeze %dma_start3A_27 : memref<1x98x128xi32, #tpu.memory_space<hbm>> -> memref<98x128xi32, #tpu.memory_space<hbm>>
      tpu.enqueue_dma source(%dma_start3A_28 : memref<98x128xi32, #tpu.memory_space<hbm>>) target(%arg7 : memref<98x128xi32, #tpu.memory_space<vmem>>) target_semaphore(%run_scoped3A : memref<!tpu.dma_semaphore, #tpu.memory_space<semaphore_mem>>)
      %dma_wait3A = arith.constant 0 : i32
      %dma_wait3A_29 = arith.constant 0 : i32
      %dma_wait3A_30 = tpu.memref_slice %arg3[%add3A, %dma_wait3A, %dma_wait3A_29] : memref<32x98x128xi32, #tpu.memory_space<hbm>> -> memref<1x98x128xi32, #tpu.memory_space<hbm>>
      %dma_wait3A_31 = tpu.memref_squeeze %dma_wait3A_30 : memref<1x98x128xi32, #tpu.memory_space<hbm>> -> memref<98x128xi32, #tpu.memory_space<hbm>>
      %dma_wait3A_32 = arith.constant 0 : i32
      %dma_wait3A_33 = arith.constant 0 : i32
      %dma_wait3A_34 = tpu.memref_slice %arg3[%add3A, %dma_wait3A_32, %dma_wait3A_33] : memref<32x98x128xi32, #tpu.memory_space<hbm>> -> memref<1x98x128xi32, #tpu.memory_space<hbm>>
      %dma_wait3A_35 = tpu.memref_squeeze %dma_wait3A_34 : memref<1x98x128xi32, #tpu.memory_space<hbm>> -> memref<98x128xi32, #tpu.memory_space<hbm>>
      tpu.wait_dma2 semaphore(%run_scoped3A : memref<!tpu.dma_semaphore, #tpu.memory_space<semaphore_mem>>) src(%dma_wait3A_35 : memref<98x128xi32, #tpu.memory_space<hbm>>) dst(%arg7 : memref<98x128xi32, #tpu.memory_space<vmem>>)
      tpu.yield
    }) : () -> ()
    "tpu.region"() ({
      %run_scoped3A = tpu.sem_alloc : memref<!tpu.dma_semaphore, #tpu.memory_space<semaphore_mem>>
      %dma_start3A = arith.constant 0 : i32
      %dma_start3A_22 = arith.constant 0 : i32
      %dma_start3A_23 = tpu.memref_slice %arg4[%add3A, %dma_start3A, %dma_start3A_22] : memref<32x98x128xi32, #tpu.memory_space<hbm>> -> memref<1x98x128xi32, #tpu.memory_space<hbm>>
      %dma_start3A_24 = tpu.memref_squeeze %dma_start3A_23 : memref<1x98x128xi32, #tpu.memory_space<hbm>> -> memref<98x128xi32, #tpu.memory_space<hbm>>
      %dma_start3A_25 = arith.constant 0 : i32
      %dma_start3A_26 = arith.constant 0 : i32
      %dma_start3A_27 = tpu.memref_slice %arg4[%add3A, %dma_start3A_25, %dma_start3A_26] : memref<32x98x128xi32, #tpu.memory_space<hbm>> -> memref<1x98x128xi32, #tpu.memory_space<hbm>>
      %dma_start3A_28 = tpu.memref_squeeze %dma_start3A_27 : memref<1x98x128xi32, #tpu.memory_space<hbm>> -> memref<98x128xi32, #tpu.memory_space<hbm>>
      tpu.enqueue_dma source(%dma_start3A_28 : memref<98x128xi32, #tpu.memory_space<hbm>>) target(%arg8 : memref<98x128xi32, #tpu.memory_space<vmem>>) target_semaphore(%run_scoped3A : memref<!tpu.dma_semaphore, #tpu.memory_space<semaphore_mem>>)
      %dma_wait3A = arith.constant 0 : i32
      %dma_wait3A_29 = arith.constant 0 : i32
      %dma_wait3A_30 = tpu.memref_slice %arg4[%add3A, %dma_wait3A, %dma_wait3A_29] : memref<32x98x128xi32, #tpu.memory_space<hbm>> -> memref<1x98x128xi32, #tpu.memory_space<hbm>>
      %dma_wait3A_31 = tpu.memref_squeeze %dma_wait3A_30 : memref<1x98x128xi32, #tpu.memory_space<hbm>> -> memref<98x128xi32, #tpu.memory_space<hbm>>
      %dma_wait3A_32 = arith.constant 0 : i32
      %dma_wait3A_33 = arith.constant 0 : i32
      %dma_wait3A_34 = tpu.memref_slice %arg4[%add3A, %dma_wait3A_32, %dma_wait3A_33] : memref<32x98x128xi32, #tpu.memory_space<hbm>> -> memref<1x98x128xi32, #tpu.memory_space<hbm>>
      %dma_wait3A_35 = tpu.memref_squeeze %dma_wait3A_34 : memref<1x98x128xi32, #tpu.memory_space<hbm>> -> memref<98x128xi32, #tpu.memory_space<hbm>>
      tpu.wait_dma2 semaphore(%run_scoped3A : memref<!tpu.dma_semaphore, #tpu.memory_space<semaphore_mem>>) src(%dma_wait3A_35 : memref<98x128xi32, #tpu.memory_space<hbm>>) dst(%arg8 : memref<98x128xi32, #tpu.memory_space<vmem>>)
      tpu.yield
    }) : () -> ()
    %barrier3A = arith.constant 0 : index
    tpu.barrier barrier_id(%barrier3A)
    %eq3A = arith.constant 0 : i32
    %eq3A_5 = arith.cmpi eq, %arg0, %eq3A : i32
    %select_n3A = arith.constant 59 : i32
    %select_n3A_6 = arith.constant 98 : i32
    %select_n3A_7 = arith.select %eq3A_5, %select_n3A_6, %select_n3A : i32
    %while3A = arith.constant 0 : i32
    %while3A_8 = arith.constant 0 : i32
    %while3A_9 = arith.subi %select_n3A_7, %while3A_8 : i32
    %while3A_10 = arith.addi %while3A_8, %while3A_9 : i32
    %while3A_11 = arith.constant 1 : i32
    %while3A_12 = arith.divsi %while3A_9, %while3A_11 : i32
    %while3A_13 = arith.muli %while3A_12, %while3A_11 : i32
    %while3A_14 = arith.addi %while3A_8, %while3A_13 : i32
    %while3A_15 = arith.constant 1 : i32
    scf.for %while3A_22 = %while3A_8 to %while3A_14 step %while3A_15  : i32 {
      %dma_start3A = arith.constant 0 : i32
      %dma_start3A_23 = tpu.memref_slice %arg7[%while3A_22, %dma_start3A] : memref<98x128xi32, #tpu.memory_space<vmem>> -> memref<1x128xi32, #tpu.memory_space<vmem>>
      %dma_start3A_24 = tpu.memref_squeeze %dma_start3A_23 : memref<1x128xi32, #tpu.memory_space<vmem>> -> memref<128xi32, #tpu.memory_space<vmem>>
      %dma_start3A_25 = arith.constant 0 : i32
      %dma_start3A_26 = arith.constant 0 : i32
      %dma_start3A_27 = tpu.memref_slice %arg2[%dma_start3A_25, %dma_start3A_26] : memref<10000x128xf32, #tpu.memory_space<hbm>> -> memref<10000x128xf32, #tpu.memory_space<hbm>>
      tpu.enqueue_indirect_dma source(%dma_start3A_27 : memref<10000x128xf32, #tpu.memory_space<hbm>>) target(%arg9 : memref<128x128xf32, #tpu.memory_space<vmem>>) offsets(%dma_start3A_24 : memref<128xi32, #tpu.memory_space<vmem>>) semaphore(%arg11 : memref<!tpu.dma_semaphore, #tpu.memory_space<semaphore_mem>>)
      %dma_wait3A = arith.constant 0 : i32
      %dma_wait3A_28 = tpu.memref_slice %arg7[%while3A_22, %dma_wait3A] : memref<98x128xi32, #tpu.memory_space<vmem>> -> memref<1x128xi32, #tpu.memory_space<vmem>>
      %dma_wait3A_29 = tpu.memref_squeeze %dma_wait3A_28 : memref<1x128xi32, #tpu.memory_space<vmem>> -> memref<128xi32, #tpu.memory_space<vmem>>
      %dma_wait3A_30 = arith.constant 0 : i32
      %dma_wait3A_31 = arith.constant 0 : i32
      %dma_wait3A_32 = tpu.memref_slice %arg2[%dma_wait3A_30, %dma_wait3A_31] : memref<10000x128xf32, #tpu.memory_space<hbm>> -> memref<10000x128xf32, #tpu.memory_space<hbm>>
      tpu.wait_indirect_dma semaphore(%arg11 : memref<!tpu.dma_semaphore, #tpu.memory_space<semaphore_mem>>) src(%dma_wait3A_32 : memref<10000x128xf32, #tpu.memory_space<hbm>>) dst(%arg9 : memref<128x128xf32, #tpu.memory_space<vmem>>)
      "tpu.region"() ({
        %run_scoped3A = tpu.sem_alloc : memref<!tpu.dma_semaphore, #tpu.memory_space<semaphore_mem>>
        %dma_start3A_33 = arith.constant 0 : i32
        %dma_start3A_34 = tpu.memref_slice %arg8[%while3A_22, %dma_start3A_33] : memref<98x128xi32, #tpu.memory_space<vmem>> -> memref<1x128xi32, #tpu.memory_space<vmem>>
        %dma_start3A_35 = tpu.memref_squeeze %dma_start3A_34 : memref<1x128xi32, #tpu.memory_space<vmem>> -> memref<128xi32, #tpu.memory_space<vmem>>
        %dma_start3A_36 = arith.constant 0 : i32
        %dma_start3A_37 = arith.constant 0 : i32
        %dma_start3A_38 = tpu.memref_slice %arg10[%dma_start3A_36, %dma_start3A_37] : memref<10112x128xf32, #tpu.memory_space<vmem_shared>> -> memref<10112x128xf32, #tpu.memory_space<vmem_shared>>
        tpu.enqueue_indirect_dma source(%arg9 : memref<128x128xf32, #tpu.memory_space<vmem>>) target(%dma_start3A_38 : memref<10112x128xf32, #tpu.memory_space<vmem_shared>>) offsets(%dma_start3A_35 : memref<128xi32, #tpu.memory_space<vmem>>) semaphore(%run_scoped3A : memref<!tpu.dma_semaphore, #tpu.memory_space<semaphore_mem>>) {add = true}
        %dma_wait3A_39 = arith.constant 0 : i32
        %dma_wait3A_40 = tpu.memref_slice %arg8[%while3A_22, %dma_wait3A_39] : memref<98x128xi32, #tpu.memory_space<vmem>> -> memref<1x128xi32, #tpu.memory_space<vmem>>
        %dma_wait3A_41 = tpu.memref_squeeze %dma_wait3A_40 : memref<1x128xi32, #tpu.memory_space<vmem>> -> memref<128xi32, #tpu.memory_space<vmem>>
        %dma_wait3A_42 = arith.constant 0 : i32
        %dma_wait3A_43 = arith.constant 0 : i32
        %dma_wait3A_44 = tpu.memref_slice %arg10[%dma_wait3A_42, %dma_wait3A_43] : memref<10112x128xf32, #tpu.memory_space<vmem_shared>> -> memref<10112x128xf32, #tpu.memory_space<vmem_shared>>
        tpu.wait_indirect_dma semaphore(%run_scoped3A : memref<!tpu.dma_semaphore, #tpu.memory_space<semaphore_mem>>) src(%arg9 : memref<128x128xf32, #tpu.memory_space<vmem>>) dst(%dma_wait3A_44 : memref<10112x128xf32, #tpu.memory_space<vmem_shared>>)
        tpu.yield
      }) : () -> ()
    }
    %while3A_16 = arith.constant 1 : i32
    scf.for %while3A_22 = %while3A_14 to %while3A_10 step %while3A_16  : i32 {
      %dma_start3A = arith.constant 0 : i32
      %dma_start3A_23 = tpu.memref_slice %arg7[%while3A_22, %dma_start3A] : memref<98x128xi32, #tpu.memory_space<vmem>> -> memref<1x128xi32, #tpu.memory_space<vmem>>
      %dma_start3A_24 = tpu.memref_squeeze %dma_start3A_23 : memref<1x128xi32, #tpu.memory_space<vmem>> -> memref<128xi32, #tpu.memory_space<vmem>>
      %dma_start3A_25 = arith.constant 0 : i32
      %dma_start3A_26 = arith.constant 0 : i32
      %dma_start3A_27 = tpu.memref_slice %arg2[%dma_start3A_25, %dma_start3A_26] : memref<10000x128xf32, #tpu.memory_space<hbm>> -> memref<10000x128xf32, #tpu.memory_space<hbm>>
      tpu.enqueue_indirect_dma source(%dma_start3A_27 : memref<10000x128xf32, #tpu.memory_space<hbm>>) target(%arg9 : memref<128x128xf32, #tpu.memory_space<vmem>>) offsets(%dma_start3A_24 : memref<128xi32, #tpu.memory_space<vmem>>) semaphore(%arg11 : memref<!tpu.dma_semaphore, #tpu.memory_space<semaphore_mem>>)
      %dma_wait3A = arith.constant 0 : i32
      %dma_wait3A_28 = tpu.memref_slice %arg7[%while3A_22, %dma_wait3A] : memref<98x128xi32, #tpu.memory_space<vmem>> -> memref<1x128xi32, #tpu.memory_space<vmem>>
      %dma_wait3A_29 = tpu.memref_squeeze %dma_wait3A_28 : memref<1x128xi32, #tpu.memory_space<vmem>> -> memref<128xi32, #tpu.memory_space<vmem>>
      %dma_wait3A_30 = arith.constant 0 : i32
      %dma_wait3A_31 = arith.constant 0 : i32
      %dma_wait3A_32 = tpu.memref_slice %arg2[%dma_wait3A_30, %dma_wait3A_31] : memref<10000x128xf32, #tpu.memory_space<hbm>> -> memref<10000x128xf32, #tpu.memory_space<hbm>>
      tpu.wait_indirect_dma semaphore(%arg11 : memref<!tpu.dma_semaphore, #tpu.memory_space<semaphore_mem>>) src(%dma_wait3A_32 : memref<10000x128xf32, #tpu.memory_space<hbm>>) dst(%arg9 : memref<128x128xf32, #tpu.memory_space<vmem>>)
      "tpu.region"() ({
        %run_scoped3A = tpu.sem_alloc : memref<!tpu.dma_semaphore, #tpu.memory_space<semaphore_mem>>
        %dma_start3A_33 = arith.constant 0 : i32
        %dma_start3A_34 = tpu.memref_slice %arg8[%while3A_22, %dma_start3A_33] : memref<98x128xi32, #tpu.memory_space<vmem>> -> memref<1x128xi32, #tpu.memory_space<vmem>>
        %dma_start3A_35 = tpu.memref_squeeze %dma_start3A_34 : memref<1x128xi32, #tpu.memory_space<vmem>> -> memref<128xi32, #tpu.memory_space<vmem>>
        %dma_start3A_36 = arith.constant 0 : i32
        %dma_start3A_37 = arith.constant 0 : i32
        %dma_start3A_38 = tpu.memref_slice %arg10[%dma_start3A_36, %dma_start3A_37] : memref<10112x128xf32, #tpu.memory_space<vmem_shared>> -> memref<10112x128xf32, #tpu.memory_space<vmem_shared>>
        tpu.enqueue_indirect_dma source(%arg9 : memref<128x128xf32, #tpu.memory_space<vmem>>) target(%dma_start3A_38 : memref<10112x128xf32, #tpu.memory_space<vmem_shared>>) offsets(%dma_start3A_35 : memref<128xi32, #tpu.memory_space<vmem>>) semaphore(%run_scoped3A : memref<!tpu.dma_semaphore, #tpu.memory_space<semaphore_mem>>) {add = true}
        %dma_wait3A_39 = arith.constant 0 : i32
        %dma_wait3A_40 = tpu.memref_slice %arg8[%while3A_22, %dma_wait3A_39] : memref<98x128xi32, #tpu.memory_space<vmem>> -> memref<1x128xi32, #tpu.memory_space<vmem>>
        %dma_wait3A_41 = tpu.memref_squeeze %dma_wait3A_40 : memref<1x128xi32, #tpu.memory_space<vmem>> -> memref<128xi32, #tpu.memory_space<vmem>>
        %dma_wait3A_42 = arith.constant 0 : i32
        %dma_wait3A_43 = arith.constant 0 : i32
        %dma_wait3A_44 = tpu.memref_slice %arg10[%dma_wait3A_42, %dma_wait3A_43] : memref<10112x128xf32, #tpu.memory_space<vmem_shared>> -> memref<10112x128xf32, #tpu.memory_space<vmem_shared>>
        tpu.wait_indirect_dma semaphore(%run_scoped3A : memref<!tpu.dma_semaphore, #tpu.memory_space<semaphore_mem>>) src(%arg9 : memref<128x128xf32, #tpu.memory_space<vmem>>) dst(%dma_wait3A_44 : memref<10112x128xf32, #tpu.memory_space<vmem_shared>>)
        tpu.yield
      }) : () -> ()
    }
    %barrier3A_17 = arith.constant 0 : index
    tpu.barrier barrier_id(%barrier3A_17)
    %mul3A_18 = arith.constant 632 : i32
    %mul3A_19 = arith.muli %arg1, %mul3A_18 : i32
    %mul3A_20 = arith.constant 632 : i32
    %mul3A_21 = arith.muli %arg1, %mul3A_20 : i32
    "tpu.region"() ({
      %run_scoped3A = tpu.sem_alloc : memref<!tpu.dma_semaphore, #tpu.memory_space<semaphore_mem>>
      %dma_start3A = arith.constant 0 : i32
      %dma_start3A_22 = tpu.memref_slice %arg6[%arg0, %mul3A_21, %dma_start3A] : memref<2x10112x128xf32, #tpu.memory_space<hbm>> -> memref<1x632x128xf32, #tpu.memory_space<hbm>>
      %dma_start3A_23 = tpu.memref_squeeze %dma_start3A_22 : memref<1x632x128xf32, #tpu.memory_space<hbm>> -> memref<632x128xf32, #tpu.memory_space<hbm>>
      %dma_start3A_24 = arith.constant 0 : i32
      %dma_start3A_25 = tpu.memref_slice %arg10[%mul3A_19, %dma_start3A_24] : memref<10112x128xf32, #tpu.memory_space<vmem_shared>> -> memref<632x128xf32, #tpu.memory_space<vmem_shared>>
      tpu.enqueue_dma source(%dma_start3A_25 : memref<632x128xf32, #tpu.memory_space<vmem_shared>>) target(%dma_start3A_23 : memref<632x128xf32, #tpu.memory_space<hbm>>) target_semaphore(%run_scoped3A : memref<!tpu.dma_semaphore, #tpu.memory_space<semaphore_mem>>)
      %dma_wait3A = arith.constant 0 : i32
      %dma_wait3A_26 = tpu.memref_slice %arg6[%arg0, %mul3A_21, %dma_wait3A] : memref<2x10112x128xf32, #tpu.memory_space<hbm>> -> memref<1x632x128xf32, #tpu.memory_space<hbm>>
      %dma_wait3A_27 = tpu.memref_squeeze %dma_wait3A_26 : memref<1x632x128xf32, #tpu.memory_space<hbm>> -> memref<632x128xf32, #tpu.memory_space<hbm>>
      %dma_wait3A_28 = arith.constant 0 : i32
      %dma_wait3A_29 = tpu.memref_slice %arg10[%mul3A_19, %dma_wait3A_28] : memref<10112x128xf32, #tpu.memory_space<vmem_shared>> -> memref<632x128xf32, #tpu.memory_space<vmem_shared>>
      tpu.wait_dma2 semaphore(%run_scoped3A : memref<!tpu.dma_semaphore, #tpu.memory_space<semaphore_mem>>) src(%dma_wait3A_29 : memref<632x128xf32, #tpu.memory_space<vmem_shared>>) dst(%dma_wait3A_27 : memref<632x128xf32, #tpu.memory_space<hbm>>)
      tpu.yield
    }) : () -> ()
    return
  }
}

module attributes {stable_mosaic.version = 14 : i64} {
  func.func @body(%arg0: memref<10000x128xf32, #tpu.memory_space<vmem>>, %arg1: memref<128x128xf32, #tpu.memory_space<vmem>>, %arg2: memref<1x128xf32, #tpu.memory_space<vmem>>, %arg3: memref<10000x128xf32, #tpu.memory_space<vmem>>) attributes {dimension_semantics = [], scalar_prefetch = 0 : i64, scratch_operands = 0 : i64, tpu.core_type = #tpu.core_type<tc>} {
    %get3A = arith.constant 0 : index
    %get3A_0 = arith.constant 0 : index
    %get3A_1 = vector.load %arg0[%get3A, %get3A_0] : memref<10000x128xf32, #tpu.memory_space<vmem>>, vector<10000x128xf32>
    %get3A_2 = arith.constant 0 : index
    %get3A_3 = arith.constant 0 : index
    %get3A_4 = vector.load %arg1[%get3A_2, %get3A_3] : memref<128x128xf32, #tpu.memory_space<vmem>>, vector<128x128xf32>
    %dot_general3A = arith.constant dense<0.000000e+00> : vector<10000x128xf32>
    %dot_general3A_5 = tpu.matmul %get3A_1, %get3A_4, %dot_general3A {dimension_numbers = #tpu.dot_dimension_numbers<[1], [0], [0], [1], [0, 0, 1, 1], [], []>, transpose_lhs_hint = false} : vector<10000x128xf32>, vector<128x128xf32>, vector<10000x128xf32> -> vector<10000x128xf32>
    %get3A_6 = arith.constant 0 : index
    %get3A_7 = arith.constant 0 : index
    %get3A_8 = vector.load %arg2[%get3A_6, %get3A_7] : memref<1x128xf32, #tpu.memory_space<vmem>>, vector<1x128xf32>
    %add3A = vector.broadcast %get3A_8 : vector<1x128xf32> to vector<10000x128xf32>
    %add3A_9 = arith.addf %dot_general3A_5, %add3A : vector<10000x128xf32>
    %swap3A = arith.constant 0 : index
    %swap3A_10 = arith.constant 0 : index
    %swap3A_11 = vector.load %arg3[%swap3A, %swap3A_10] : memref<10000x128xf32, #tpu.memory_space<vmem>>, vector<10000x128xf32>
    tpu.vector_store %arg3[%swap3A, %swap3A_10], %add3A_9 {strides = array<i32>} : memref<10000x128xf32, #tpu.memory_space<vmem>>, vector<10000x128xf32>,
    return
  }
}

module attributes {stable_mosaic.version = 14 : i64} {
  func.func @body(%arg0: memref<10000x128xf32, #tpu.memory_space<vmem>>, %arg1: memref<2x10112x128xf32, #tpu.memory_space<vmem>>, %arg2: memref<128x128xf32, #tpu.memory_space<vmem>>, %arg3: memref<128x128xf32, #tpu.memory_space<vmem>>, %arg4: memref<1x128xf32, #tpu.memory_space<vmem>>, %arg5: memref<1x128xf32, #tpu.memory_space<vmem>>, %arg6: memref<10000x128xf32, #tpu.memory_space<vmem>>) attributes {dimension_semantics = [], scalar_prefetch = 0 : i64, scratch_operands = 0 : i64, tpu.core_type = #tpu.core_type<tc>} {
    %get3A = arith.constant 0 : index
    %get3A_0 = arith.constant 0 : index
    %get3A_1 = vector.load %arg0[%get3A, %get3A_0] : memref<10000x128xf32, #tpu.memory_space<vmem>>, vector<10000x128xf32>
    %get3A_2 = arith.constant 0 : index
    %get3A_3 = arith.constant 0 : index
    %get3A_4 = arith.constant 0 : index
    %get3A_5 = vector.load %arg1[%get3A_2, %get3A_3, %get3A_4] : memref<2x10112x128xf32, #tpu.memory_space<vmem>>, vector<1x10000x128xf32>
    %get3A_6 = vector.shape_cast %get3A_5 : vector<1x10000x128xf32> to vector<10000x128xf32>
    %add3A = arith.addf %get3A_1, %get3A_6 : vector<10000x128xf32>
    %get3A_7 = arith.constant 1 : index
    %get3A_8 = arith.constant 0 : index
    %get3A_9 = arith.constant 0 : index
    %get3A_10 = vector.load %arg1[%get3A_7, %get3A_8, %get3A_9] : memref<2x10112x128xf32, #tpu.memory_space<vmem>>, vector<1x10000x128xf32>
    %get3A_11 = vector.shape_cast %get3A_10 : vector<1x10000x128xf32> to vector<10000x128xf32>
    %add3A_12 = arith.addf %add3A, %get3A_11 : vector<10000x128xf32>
    %get3A_13 = arith.constant 0 : index
    %get3A_14 = arith.constant 0 : index
    %get3A_15 = vector.load %arg2[%get3A_13, %get3A_14] : memref<128x128xf32, #tpu.memory_space<vmem>>, vector<128x128xf32>
    %dot_general3A = arith.constant dense<0.000000e+00> : vector<10000x128xf32>
    %dot_general3A_16 = tpu.matmul %add3A_12, %get3A_15, %dot_general3A {dimension_numbers = #tpu.dot_dimension_numbers<[1], [0], [0], [1], [0, 0, 1, 1], [], []>, transpose_lhs_hint = false} : vector<10000x128xf32>, vector<128x128xf32>, vector<10000x128xf32> -> vector<10000x128xf32>
    %ge3A = arith.constant 0.000000e+00 : f32
    %ge3A_17 = vector.broadcast %ge3A : f32 to vector<10000x128xf32>
    %ge3A_18 = arith.cmpf oge, %dot_general3A_16, %ge3A_17 : vector<10000x128xf32>
    %mul3A = arith.constant 0.00999999977 : f32
    %mul3A_19 = vector.broadcast %mul3A : f32 to vector<10000x128xf32>
    %mul3A_20 = arith.mulf %mul3A_19, %dot_general3A_16 : vector<10000x128xf32>
    %select_n3A = arith.select %ge3A_18, %dot_general3A_16, %mul3A_20 : vector<10000x128xi1>, vector<10000x128xf32>
    %get3A_21 = arith.constant 0 : index
    %get3A_22 = arith.constant 0 : index
    %get3A_23 = vector.load %arg3[%get3A_21, %get3A_22] : memref<128x128xf32, #tpu.memory_space<vmem>>, vector<128x128xf32>
    %dot_general3A_24 = arith.constant dense<0.000000e+00> : vector<10000x128xf32>
    %dot_general3A_25 = tpu.matmul %select_n3A, %get3A_23, %dot_general3A_24 {dimension_numbers = #tpu.dot_dimension_numbers<[1], [0], [0], [1], [0, 0, 1, 1], [], []>, transpose_lhs_hint = false} : vector<10000x128xf32>, vector<128x128xf32>, vector<10000x128xf32> -> vector<10000x128xf32>
    %reduce_sum3A = arith.constant dense<0.000000e+00> : vector<128xf32>
    %reduce_sum3A_26 = vector.multi_reduction <add>, %dot_general3A_25, %reduce_sum3A [0] : vector<10000x128xf32> to vector<128xf32>
    %broadcast_in_dim3A = vector.shape_cast %reduce_sum3A_26 : vector<128xf32> to vector<1x128xf32>
    %div3A = arith.constant 1.000000e+04 : f32
    %div3A_27 = vector.broadcast %div3A : f32 to vector<1x128xf32>
    %div3A_28 = arith.divf %broadcast_in_dim3A, %div3A_27 : vector<1x128xf32>
    %sub3A = vector.broadcast %div3A_28 : vector<1x128xf32> to vector<10000x128xf32>
    %sub3A_29 = arith.subf %dot_general3A_25, %sub3A : vector<10000x128xf32>
    %mul3A_30 = arith.mulf %sub3A_29, %sub3A_29 : vector<10000x128xf32>
    %reduce_sum3A_31 = arith.constant dense<0.000000e+00> : vector<128xf32>
    %reduce_sum3A_32 = vector.multi_reduction <add>, %mul3A_30, %reduce_sum3A_31 [0] : vector<10000x128xf32> to vector<128xf32>
    %broadcast_in_dim3A_33 = vector.shape_cast %reduce_sum3A_32 : vector<128xf32> to vector<1x128xf32>
    %div3A_34 = arith.constant 1.000000e+04 : f32
    %div3A_35 = vector.broadcast %div3A_34 : f32 to vector<1x128xf32>
    %div3A_36 = arith.divf %broadcast_in_dim3A_33, %div3A_35 : vector<1x128xf32>
    %add3A_37 = arith.constant 9.99999974E-5 : f32
    %add3A_38 = vector.broadcast %add3A_37 : f32 to vector<1x128xf32>
    %add3A_39 = arith.addf %div3A_36, %add3A_38 : vector<1x128xf32>
    %rsqrt3A = math.rsqrt %add3A_39 : vector<1x128xf32>
    %mul3A_40 = vector.broadcast %rsqrt3A : vector<1x128xf32> to vector<10000x128xf32>
    %mul3A_41 = arith.mulf %sub3A_29, %mul3A_40 : vector<10000x128xf32>
    %get3A_42 = arith.constant 0 : index
    %get3A_43 = arith.constant 0 : index
    %get3A_44 = vector.load %arg4[%get3A_42, %get3A_43] : memref<1x128xf32, #tpu.memory_space<vmem>>, vector<1x128xf32>
    %mul3A_45 = vector.broadcast %get3A_44 : vector<1x128xf32> to vector<10000x128xf32>
    %mul3A_46 = arith.mulf %mul3A_41, %mul3A_45 : vector<10000x128xf32>
    %get3A_47 = arith.constant 0 : index
    %get3A_48 = arith.constant 0 : index
    %get3A_49 = vector.load %arg5[%get3A_47, %get3A_48] : memref<1x128xf32, #tpu.memory_space<vmem>>, vector<1x128xf32>
    %add3A_50 = vector.broadcast %get3A_49 : vector<1x128xf32> to vector<10000x128xf32>
    %add3A_51 = arith.addf %mul3A_46, %add3A_50 : vector<10000x128xf32>
    %swap3A = arith.constant 0 : index
    %swap3A_52 = arith.constant 0 : index
    %swap3A_53 = vector.load %arg6[%swap3A, %swap3A_52] : memref<10000x128xf32, #tpu.memory_space<vmem>>, vector<10000x128xf32>
    tpu.vector_store %arg6[%swap3A, %swap3A_52], %add3A_51 {strides = array<i32>} : memref<10000x128xf32, #tpu.memory_space<vmem>>, vector<10000x128xf32>,
    return
  }
}

module attributes {stable_mosaic.version = 14 : i64} {
  func.func @body(%arg0: memref<10000x128xf32, #tpu.memory_space<vmem>>, %arg1: memref<10000x128xf32, #tpu.memory_space<vmem>>, %arg2: memref<10000x128xf32, #tpu.memory_space<vmem>>, %arg3: memref<1x10000xi32, #tpu.memory_space<vmem>>, %arg4: memref<384x384xf32, #tpu.memory_space<vmem>>, %arg5: memref<384x384xf32, #tpu.memory_space<vmem>>, %arg6: memref<384x384xf32, #tpu.memory_space<vmem>>, %arg7: memref<384x384xf32, #tpu.memory_space<vmem>>, %arg8: memref<64x384xf32, #tpu.memory_space<vmem>>) attributes {dimension_semantics = [], scalar_prefetch = 0 : i64, scratch_operands = 0 : i64, tpu.core_type = #tpu.core_type<tc>} {
    %iota3A = tpu.iota {dimensions = array<i32: 0>} : vector<64x10000xi32>
    %get3A = arith.constant 0 : index
    %get3A_0 = arith.constant 0 : index
    %get3A_1 = vector.load %arg3[%get3A, %get3A_0] : memref<1x10000xi32, #tpu.memory_space<vmem>>, vector<1x10000xi32>
    %eq3A = vector.broadcast %get3A_1 : vector<1x10000xi32> to vector<64x10000xi32>
    %eq3A_2 = arith.cmpi eq, %eq3A, %iota3A : vector<64x10000xi32>
    %convert_element_type3A = arith.extui %eq3A_2 : vector<64x10000xi1> to vector<64x10000xi32>
    %convert_element_type3A_3 = arith.sitofp %convert_element_type3A : vector<64x10000xi32> to vector<64x10000xf32>
    %get3A_4 = arith.constant 0 : index
    %get3A_5 = arith.constant 0 : index
    %get3A_6 = vector.load %arg0[%get3A_4, %get3A_5] : memref<10000x128xf32, #tpu.memory_space<vmem>>, vector<10000x128xf32>
    %dot_general3A = arith.constant dense<0.000000e+00> : vector<64x128xf32>
    %dot_general3A_7 = tpu.matmul %convert_element_type3A_3, %get3A_6, %dot_general3A {dimension_numbers = #tpu.dot_dimension_numbers<[1], [0], [0], [1], [0, 0, 1, 1], [], []>, transpose_lhs_hint = false} : vector<64x10000xf32>, vector<10000x128xf32>, vector<64x128xf32> -> vector<64x128xf32>
    %get3A_8 = arith.constant 0 : index
    %get3A_9 = arith.constant 0 : index
    %get3A_10 = vector.load %arg1[%get3A_8, %get3A_9] : memref<10000x128xf32, #tpu.memory_space<vmem>>, vector<10000x128xf32>
    %dot_general3A_11 = arith.constant dense<0.000000e+00> : vector<64x128xf32>
    %dot_general3A_12 = tpu.matmul %convert_element_type3A_3, %get3A_10, %dot_general3A_11 {dimension_numbers = #tpu.dot_dimension_numbers<[1], [0], [0], [1], [0, 0, 1, 1], [], []>, transpose_lhs_hint = false} : vector<64x10000xf32>, vector<10000x128xf32>, vector<64x128xf32> -> vector<64x128xf32>
    %get3A_13 = arith.constant 0 : index
    %get3A_14 = arith.constant 0 : index
    %get3A_15 = vector.load %arg2[%get3A_13, %get3A_14] : memref<10000x128xf32, #tpu.memory_space<vmem>>, vector<10000x128xf32>
    %dot_general3A_16 = arith.constant dense<0.000000e+00> : vector<64x128xf32>
    %dot_general3A_17 = tpu.matmul %convert_element_type3A_3, %get3A_15, %dot_general3A_16 {dimension_numbers = #tpu.dot_dimension_numbers<[1], [0], [0], [1], [0, 0, 1, 1], [], []>, transpose_lhs_hint = false} : vector<64x10000xf32>, vector<10000x128xf32>, vector<64x128xf32> -> vector<64x128xf32>
    %concatenate3A = tpu.concatenate %dot_general3A_7, %dot_general3A_12, %dot_general3A_17 in 1 : vector<64x128xf32>, vector<64x128xf32>, vector<64x128xf32> -> vector<64x384xf32>
    %get3A_18 = arith.constant 0 : index
    %get3A_19 = arith.constant 0 : index
    %get3A_20 = vector.load %arg4[%get3A_18, %get3A_19] : memref<384x384xf32, #tpu.memory_space<vmem>>, vector<384x384xf32>
    %dot_general3A_21 = arith.constant dense<0.000000e+00> : vector<64x384xf32>
    %dot_general3A_22 = tpu.matmul %concatenate3A, %get3A_20, %dot_general3A_21 {dimension_numbers = #tpu.dot_dimension_numbers<[1], [0], [0], [1], [0, 0, 1, 1], [], []>, transpose_lhs_hint = false} : vector<64x384xf32>, vector<384x384xf32>, vector<64x384xf32> -> vector<64x384xf32>
    %ge3A = arith.constant 0.000000e+00 : f32
    %ge3A_23 = vector.broadcast %ge3A : f32 to vector<64x384xf32>
    %ge3A_24 = arith.cmpf oge, %dot_general3A_22, %ge3A_23 : vector<64x384xf32>
    %mul3A = arith.constant 0.00999999977 : f32
    %mul3A_25 = vector.broadcast %mul3A : f32 to vector<64x384xf32>
    %mul3A_26 = arith.mulf %mul3A_25, %dot_general3A_22 : vector<64x384xf32>
    %select_n3A = arith.select %ge3A_24, %dot_general3A_22, %mul3A_26 : vector<64x384xi1>, vector<64x384xf32>
    %get3A_27 = arith.constant 0 : index
    %get3A_28 = arith.constant 0 : index
    %get3A_29 = vector.load %arg5[%get3A_27, %get3A_28] : memref<384x384xf32, #tpu.memory_space<vmem>>, vector<384x384xf32>
    %dot_general3A_30 = arith.constant dense<0.000000e+00> : vector<64x384xf32>
    %dot_general3A_31 = tpu.matmul %select_n3A, %get3A_29, %dot_general3A_30 {dimension_numbers = #tpu.dot_dimension_numbers<[1], [0], [0], [1], [0, 0, 1, 1], [], []>, transpose_lhs_hint = false} : vector<64x384xf32>, vector<384x384xf32>, vector<64x384xf32> -> vector<64x384xf32>
    %ge3A_32 = arith.constant 0.000000e+00 : f32
    %ge3A_33 = vector.broadcast %ge3A_32 : f32 to vector<64x384xf32>
    %ge3A_34 = arith.cmpf oge, %dot_general3A_31, %ge3A_33 : vector<64x384xf32>
    %mul3A_35 = arith.constant 0.00999999977 : f32
    %mul3A_36 = vector.broadcast %mul3A_35 : f32 to vector<64x384xf32>
    %mul3A_37 = arith.mulf %mul3A_36, %dot_general3A_31 : vector<64x384xf32>
    %select_n3A_38 = arith.select %ge3A_34, %dot_general3A_31, %mul3A_37 : vector<64x384xi1>, vector<64x384xf32>
    %get3A_39 = arith.constant 0 : index
    %get3A_40 = arith.constant 0 : index
    %get3A_41 = vector.load %arg6[%get3A_39, %get3A_40] : memref<384x384xf32, #tpu.memory_space<vmem>>, vector<384x384xf32>
    %dot_general3A_42 = arith.constant dense<0.000000e+00> : vector<64x384xf32>
    %dot_general3A_43 = tpu.matmul %select_n3A_38, %get3A_41, %dot_general3A_42 {dimension_numbers = #tpu.dot_dimension_numbers<[1], [0], [0], [1], [0, 0, 1, 1], [], []>, transpose_lhs_hint = false} : vector<64x384xf32>, vector<384x384xf32>, vector<64x384xf32> -> vector<64x384xf32>
    %ge3A_44 = arith.constant 0.000000e+00 : f32
    %ge3A_45 = vector.broadcast %ge3A_44 : f32 to vector<64x384xf32>
    %ge3A_46 = arith.cmpf oge, %dot_general3A_43, %ge3A_45 : vector<64x384xf32>
    %mul3A_47 = arith.constant 0.00999999977 : f32
    %mul3A_48 = vector.broadcast %mul3A_47 : f32 to vector<64x384xf32>
    %mul3A_49 = arith.mulf %mul3A_48, %dot_general3A_43 : vector<64x384xf32>
    %select_n3A_50 = arith.select %ge3A_46, %dot_general3A_43, %mul3A_49 : vector<64x384xi1>, vector<64x384xf32>
    %get3A_51 = arith.constant 0 : index
    %get3A_52 = arith.constant 0 : index
    %get3A_53 = vector.load %arg7[%get3A_51, %get3A_52] : memref<384x384xf32, #tpu.memory_space<vmem>>, vector<384x384xf32>
    %dot_general3A_54 = arith.constant dense<0.000000e+00> : vector<64x384xf32>
    %dot_general3A_55 = tpu.matmul %concatenate3A, %get3A_53, %dot_general3A_54 {dimension_numbers = #tpu.dot_dimension_numbers<[1], [0], [0], [1], [0, 0, 1, 1], [], []>, transpose_lhs_hint = false} : vector<64x384xf32>, vector<384x384xf32>, vector<64x384xf32> -> vector<64x384xf32>
    %add3A = arith.addf %select_n3A_50, %dot_general3A_55 : vector<64x384xf32>
    %swap3A = arith.constant 0 : index
    %swap3A_56 = arith.constant 0 : index
    %swap3A_57 = vector.load %arg8[%swap3A, %swap3A_56] : memref<64x384xf32, #tpu.memory_space<vmem>>, vector<64x384xf32>
    tpu.vector_store %arg8[%swap3A, %swap3A_56], %add3A {strides = array<i32>} : memref<64x384xf32, #tpu.memory_space<vmem>>, vector<64x384xf32>,
    return
  }
}

</mosaic_0001>

<sc_bundles>
// kernel: kernel.10.cloned.1.call-start
scs
__scs_entry_jumppad:
0x0: {  	(pc) =	sbr.rel $0x88, $3  }
0x1: {  	(tag) =	ssettag $0x0;
	lr =	simm.s32 $0x1  }
0x2: {  	[smem:$0x3F8C] =	sst lr;
	_ =	strace $0xD0000000  }
0x3: {  	_ = 	snop  }
0x4: {  	_ = 	snop  }
0x5: {  	_ = 	snop  }
0x6: {  	_ = 	snop  }
0x7: {  	_ = 	snop  }
__scs_overlays_trampoline_lowered:
0x8: {  	[smem:$0x3F9B] =	sst s0  }
0x9: {  	[smem:$0x3F9C] =	sst s1  }
0xa: {  	[smem:$0x3F9D] =	sst s2  }
0xb: {  	[smem:$0x3F9E] =	sst s3  }
0xc: {  	[smem:$0x3F9F] =	sst s4  }
0xd: {  	[smem:$0x3FA0] =	sst s5  }
0xe: {  	[smem:$0x3FA1] =	sst s6  }
0xf: {  	[smem:$0x3FA2] =	sst s7  }
0x10: {  	[smem:$0x3FA3] =	sst s8  }
0x11: {  	[smem:$0x3FA4] =	sst s9;
	s0 =	simm.s32 @!p0 $0x0  }
0x12: {  	s1 =	sld [smem:$0x3F8A];
	s0 =	simm.s32 @p0 $0x1  }
0x13: {  	[smem:$0x3FA5] =	sst s0;
	s0 =	simm.s32 @!p1 $0x0  }
0x14: {  	s2 =	sld [smem:$0x3F89];
	s0 =	simm.s32 @p1 $0x1  }
0x15: {  	[smem:$0x3FA6] =	sst s0;
	s0 =	simm.s32 @!p2 $0x0  }
0x16: {  	s3 =	sld [smem:$0x3FDB];
	s0 =	simm.s32 @p2 $0x1  }
0x17: {  	s4 =	simm.s32 $0x1BF5;
	[smem:$0x3FA8] =	sst s0  }
0x18: {  	s0 =	sld [smem:$0x3F8B];
	_ =	swait.ge [sflag:s4], $0x0  }
0x19: {  	s7 =	sld [smem:$0x3F8C]  }
0x1a: {  	s8 =	sadd.s32 $0xFFFFE003, lr  }
0x1b: {  	s9 =	sadd.s32 $0xFFFFFEF7, lr;
	s5 =	simm.s32 $0xFFFFFFFF;
	p2 =	slt.u32 s8, $0xFFFFF086  }
0x1c: {  	p1 =	slt.u32 s9, $0xF7A;
	s5 =	simm.s32 @!p2 $0x0  }
0x1d: {  	s5 =	simm.s32 @p1 $0x1;
	p0 =	seq.s32 s7, s2  }
0x1e: {  	s7 =	smul.u32 @!p0 $0xF7A, s2;
	p2 =	seq.s32 @!p0 s5, $0x0  }
0x1f: {  	s9 =	smul.u32 $0xF7A, s1;
	s8 =	simm.s32 @!p0 $0x1BF5;
	p2 =	por !p2, p0  }
0x20: {  	[sflag:s8] =	ssyncset.s32 @!p0 $0xFFFFF086;
	s6 =	sadd.s32 @!p0 s3, s7;
	s7 =	simm.s32 @!p0 $0x108  }
0x21: {  	s3 =	sadd.s32 s3, s9;
	s6 =	sadd.s32 @!p0 $0x88, s6;
	s7 =	simm.s32 @p2 $0x1082  }
0x22: {  	[simem:s7], [sflag:s8] =	dma.local @!p0 [hbm:s6], $0xF7A  }
0x23: {  	s9 =	sor.u32 $0xD0000000, s2;
	s6 =	simm.s32 $0x108;
	_ =	swait.ge @!p0 [sflag:s8], $0x0  }
0x24: {  	s3 =	sadd.s32 $0x88, s3;
	s6 =	simm.s32 @!p1 $0x1082;
	[sflag:s4] =	ssyncset.s32 $0xFFFFF086  }
0x25: {  	[simem:s6], [sflag:s4] =	dma.local [hbm:s3], $0xF7A  }
0x26: {  	[smem:$0x3F8C] =	sst s1;
	(tag) =	ssettag s2;
	_ =	strace s9  }
0x27: {  	s1 =	sld [smem:$0x3F9C]  }
0x28: {  	s2 =	sld [smem:$0x3F9D]  }
0x29: {  	s4 =	sld [smem:$0x3F9F]  }
0x2a: {  	p0 =	seq.s32 s5, $0x0;
	s5 =	sld [smem:$0x3FA0]  }
0x2b: {  	s6 =	sld [smem:$0x3FA1]  }
0x2c: {  	s7 =	sld [smem:$0x3FA2]  }
0x2d: {  	s3 =	simm.s32 $0x108;
	s8 =	sld [smem:$0x3FA3]  }
0x2e: {  	s3 =	simm.s32 @!p0 $0x1082;
	s9 =	sld [smem:$0x3FA4]  }
0x2f: {  	lr =	sadd.s32 s0, s3;
	s0 =	sld [smem:$0x3F9B]  }
0x30: {  	s3 =	sld [smem:$0x3F9E]  }
0x31: {  	[smem:$0x3FA7] =	sst s10  }
0x32: {  	s10 =	sld [smem:$0x3FA5];
	_ =	sdelay $0x3  }
0x33: {  	p0 =	seq.s32 s10, $0x1;
	s10 =	sld [smem:$0x3FA7];
	_ =	sdelay $0x3  }
0x34: {  	[smem:$0x3FA7] =	sst s10  }
0x35: {  	s10 =	sld [smem:$0x3FA6];
	_ =	sdelay $0x3  }
0x36: {  	p1 =	seq.s32 s10, $0x1;
	s10 =	sld [smem:$0x3FA7];
	_ =	sdelay $0x3  }
0x37: {  	[smem:$0x3FA7] =	sst s10  }
0x38: {  	s10 =	sld [smem:$0x3FA8]  }
0x39: {  	_ = 	snop;
	(pc) =	sbr.ind lr, $3  }
0x3a: {  	_ = 	snop  }
0x3b: {  	_ = 	snop  }
0x3c: {  	p2 =	seq.s32 s10, $0x1;
	s10 =	sld [smem:$0x3FA7]  }
0x3d: {  	_ =	shalt  }
0x3e: {  	_ =	shalt  }
0x3f: {  	_ =	shalt  }
0x40: {  	_ =	shalt  }
0x41: {  	_ =	shalt  }
0x42: {  	_ =	shalt  }
0x43: {  	_ =	shalt  }
0x44: {  	_ =	shalt  }
0x45: {  	_ =	shalt  }
0x46: {  	_ =	shalt  }
0x47: {  	_ =	shalt  }
0x48: {  	_ =	shalt  }
0x49: {  	_ =	shalt  }
0x4a: {  	_ =	shalt  }
0x4b: {  	_ =	shalt  }
0x4c: {  	_ =	shalt  }
0x4d: {  	_ =	shalt  }
0x4e: {  	_ =	shalt  }
0x4f: {  	_ =	shalt  }
0x50: {  	_ =	shalt  }
0x51: {  	_ =	shalt  }
0x52: {  	_ =	shalt  }
0x53: {  	_ =	shalt  }
0x54: {  	_ =	shalt  }
0x55: {  	_ =	shalt  }
0x56: {  	_ =	shalt  }
0x57: {  	_ =	shalt  }
0x58: {  	_ =	shalt  }
0x59: {  	_ =	shalt  }
0x5a: {  	_ =	shalt  }
0x5b: {  	_ =	shalt  }
0x5c: {  	_ =	shalt  }
0x5d: {  	_ =	shalt  }
0x5e: {  	_ =	shalt  }
0x5f: {  	_ =	shalt  }
0x60: {  	_ =	shalt  }
0x61: {  	_ =	shalt  }
0x62: {  	_ =	shalt  }
0x63: {  	_ =	shalt  }
0x64: {  	_ =	shalt  }
0x65: {  	_ =	shalt  }
0x66: {  	_ =	shalt  }
0x67: {  	_ =	shalt  }
0x68: {  	_ =	shalt  }
0x69: {  	_ =	shalt  }
0x6a: {  	_ =	shalt  }
0x6b: {  	_ =	shalt  }
0x6c: {  	_ =	shalt  }
0x6d: {  	_ =	shalt  }
0x6e: {  	_ =	shalt  }
0x6f: {  	_ =	shalt  }
0x70: {  	_ =	shalt  }
0x71: {  	_ =	shalt  }
0x72: {  	_ =	shalt  }
0x73: {  	_ =	shalt  }
0x74: {  	_ =	shalt  }
0x75: {  	_ =	shalt  }
0x76: {  	_ =	shalt  }
0x77: {  	_ =	shalt  }
0x78: {  	_ =	shalt  }
0x79: {  	_ =	shalt  }
0x7a: {  	_ =	shalt  }
0x7b: {  	_ =	shalt  }
0x7c: {  	_ =	shalt  }
0x7d: {  	_ =	shalt  }
0x7e: {  	_ =	shalt  }
0x7f: {  	_ =	shalt  }
0x80: {  	_ =	shalt  }
0x81: {  	_ =	shalt  }
0x82: {  	_ =	shalt  }
0x83: {  	_ =	shalt  }
0x84: {  	_ =	shalt  }
0x85: {  	_ =	shalt  }
0x86: {  	_ =	shalt  }
0x87: {  	_ =	shalt  }
.Lfunc_end0:
.L_simem_size_0:
called_computation_lowered:
.L_overlay_start_0:
0x88: {  	s2 =	sld [smem:$0x3FD9]  }
0x89: {  	s3 =	sld [smem:$0x3FFE];
	_ =	sdelay $0x1  }
0x8a: {  	s1 =	srdreg.scid  }
0x8b: {  	s0 =	sand.u32 $0x1, s1  }
0x8c: {  	s16 =	sshll.u32 s0, $0xA;
	s2 =	sadd.s32 s3, s2  }
0x8d: {  	s2 =	sadd.s32 s2, s16  }
0x8e: {  	[smem:$0x3FB3] =	sst s2  }
0x8f: {  	_ = 	snop  }
0x90: {  	(tm) =	ssettm $0x1  }
0x91: {  	s17 =	sld [smem:$0x3FFB];
	_ =	sdelay $0x3  }
0x92: {  	_ =	strace s17  }
0x93: {  	s2 =	sld [smem:$0x3FFC];
	_ =	sdelay $0x3  }
0x94: {  	_ =	strace s2  }
0x95: {  	s2 =	sld [smem:$0x3FFD];
	_ =	sdelay $0x3  }
0x96: {  	_ =	strace s2  }
0x97: {  	_ =	strace $0x8FFFFFFF  }
0x98: {  	s18 =	sld [smem:$0x3FDB];
	_ =	sdelay $0x1  }
0x99: {  	s19 =	simm.s32 $_scs_section_size  }
0x9a: {  	s4 =	simm.s32 $_size__tile_overlayer_lowered;
	s5 =	simm.s32 $_tile_overlayer_lowered  }
0x9b: {  	s22 =	simm.s32 $0x1BFF;
	s21 =	sshll.u32 s5, $0x1;
	s2 =	sadd.s32 s19, s18  }
0x9c: {  	s6 =	simm.s32 $0x0;
	s20 =	sshll.u32 s4, $0x1;
	s4 =	sadd.s32 s21, s2  }
0x9d: {  	[timem:s6], [sflag:s22] =	dma.local [hbm:s4], s20  }
0x9e: {  	_ =	swait.ge [sflag:s22], s20  }
0x9f: {  	s3 =	ssub.s32 $0x0, s20;
	[sflag:s22] =	ssyncset.done $0x0  }
0xa0: {  	[sflag:s22] =	ssyncadd.s32 s3;
	_ =	sdelay $0x1  }
0xa1: {  	s23 =	simm.s32 $0x1B8B  }
0xa2: {  	_ =	swait.ge [sflag:s23], $0x1  }
0xa3: {  	[sflag:s23] =	ssyncset.done $0x0  }
0xa4: {  	s25 =	simm.s32 $0x1B8E;
	s24 =	sld [smem:$0x3FFE];
	[sflag:s23] =	ssyncadd.s32 $0xFFFFFFFF  }
0xa5: {  	s26 =	simm.s32 $execute0_lowered;
	[smem:$0x3FD2] =	sst s25  }
0xa6: {  	s4 =	sshll.u32 s26, $0x1;
	_ =	strace $0x80000046;
	[dreg:$0x1] =	wrdreg $0xFFFFFFFF  }
0xa7: {  	s28 =	simm.s32 $_size_execute0_lowered;
	s2 =	sadd.s32 s2, s4;
	[dreg:$0x0] =	wrdreg $0x0  }
0xa8: {  	s4 =	sshll.u32 s28, $0x1;
	[dreg:$0x2] =	wrdreg s2  }
0xa9: {  	[dreg:$0x3] =	wrdreg s4  }
0xaa: {  	[dreg:$0x4] =	wrdreg $0xC0  }
0xab: {  	_ =	task [dreg:s6], $0x5FFFF  }
0xac: {  	[dreg:$0x1] =	wrdreg $0xFFFFFFFF  }
0xad: {  	[dreg:$0x0] =	wrdreg $0x60  }
0xae: {  	[dreg:$0x2] =	wrdreg s24  }
0xaf: {  	[dreg:$0x3] =	wrdreg $0xA8000  }
0xb0: {  	[dreg:$0x4] =	wrdreg $0x9  }
0xb1: {  	_ =	task.clear_ibuf [dreg:s6], $0x5FFFF;
	_ =	strace $0x90000046  }
0xb2: {  	s29 =	simm.s32 $0x9;
	_ =	strace $0x80000048  }
0xb3: {  	_ =	swait.ge [sflag:s29], $0x1  }
0xb4: {  	[sflag:s29] =	ssyncadd.s32 $0xFFFFFFFF  }
0xb5: {  	_ =	strace $0x90000048  }
0xb6: {  	_ =	sfence  }
0xb7: {  	s30 =	sld [smem:$0x0];
	_ =	sdelay $0x2  }
0xb8: {  	s31 =	sshll.u32 s1, $0xD;
	s1 =	sshrl.u32 s1, $0x2  }
0xb9: {  	s3 =	sand.u32 $0x4000, s31;
	s1 =	sadd.s32 s1, s30  }
0xba: {  	s0 =	sor.u32 s3, s0;
	s1 =	sshll.u32 s1, $0x11  }
0xbb: {  	s0 =	sor.u32 s1, s0  }
0xbc: {  	s0 =	sadd.s32 $0x8F2B, s0  }
0xbd: {  	[sflag:s0] =	ssyncadd.remote.s32 $0x1  }
0xbe: {  	_ =	sfence.sel $0xFFFF  }
0xbf: {  	[dreg:$0x0] =	wrdreg $0xFFFFFFFF;
	(pc) =	sbr.abs _section_cstart, $3  }
0xc0: {  	[dreg:$0x1] =	wrdreg $0xFFFFFFFF  }
0xc1: {  	_ =	task.clear_ibuf [dreg:s6], $0x2FFFF;
	_ =	strace $0x9FFFFFFF  }
0xc2: {  	(tm) =	ssettm $0x7FFFFFFF  }
0xc3: {  	_ =	shalt  }
tec
execute0_lowered:
.L_overlay_start_1:
0x0: {  	(tag) =	ssettag $0x1  }
0x1: {  	s5 =	rddreg [dreg:$0x0]  }
0x2: {  	s0 =	srdreg.scid;
	s2 =	rddreg [dreg:$0x1];
	s3 =	simm.s32 $0x0  }
0x3: {  	s14 =	simm.s32 $0x80;
	s9 =	sand.u32 $0x1, s0;
	s0 =	stileid.u32  }
0x4: {  	s15 =	simm.s32 $0x6800;
	s16 =	simm.s32 $0x1;
	s7 =	smul.u32 $0x13C00, s0  }
0x5: {  	s17 =	simm.s32 $0x0;
	[smem:$0x7FF] =	sst s3;
	s8 =	smul.u32 $0x13C000, s9  }
0x6: {  	s4 =	sadd.s32 $0x4200, s5;
	s1 =	sshll.u32 s9, $0x4;
	s28 =	smul.u32 $0x4F000, s0  }
0x7: {  	s11 =	ssub.s32 $0x2, s9;
	s31 =	sshll.u32 s0, $0x6;
	p0 =	seq.s32 s9, $0x0  }
0x8: {  	s9 =	simm.s32 $0x62;
	s1 =	sor.u32 s0, s1;
	s29 =	sshrl.u32 s11, $0x1  }
0x9: {  	s9 =	simm.s32 @!p0 $0x3B;
	s6 =	smul.u32 $0x680, s1;
	s1 =	rddreg [dreg:$0x2]  }
0xa: {  	_ =	strace $0x80000047;
	s26 =	sshrl.u32 s7, $0x3;
	s7 =	sadd.s32 s7, s8  }
0xb: {  	s30 =	sshrl.u32 s28, $0x2;
	s11 =	ssub.s32 s11, s29;
	s7 =	sshrl.u32 s7, $0x3  }
0xc: {  	s13 =	sadd.s32 s30, s2;
	s10 =	sadd.s32 s6, s5;
	s6 =	sadd.s32 s26, s5  }
0xd: {  	s11 =	smax.u32 s11, $0x1;
	s12 =	sadd.s32 s7, s5;
	s5 =	sadd.s32 $0x45400, s6  }
0xe: {  	s6 =	sor.u32 $0x1C02, s31;
	s7 =	sadd.s32 $0x38400, s10;
	s8 =	sadd.s32 $0x2B400, s10  }
0xf: {  	s10 =	sadd.s32 $0x6CC00, s12;
	s12 =	sshrl.u32 s13, $0x3;
	s13 =	simm.s32 $0x2  }
.LBB2_1:
0x10: {  	[spmem:s12], [sflag:s6] =	dma.local [hbm:s5], $0x2780  }
0x11: {  	_ =	swait.ge [sflag:s13], $0x2780  }
0x12: {  	[sflag:s13] =	ssyncset.done $0x0  }
0x13: {  	[sflag:s13] =	ssyncadd.s32 $0xFFFFD880  }
0x14: {  	[tilespmem:s3], [sflag:$0x2] =	stream.linear.gather [hbm4b:s7+s3], $0x3100, $0x38;
	[tilespmem:$0x1E400] =	vst v63  }
0x15: {  	_ =	swait.ge [sflag:s13], $0x3100  }
0x16: {  	[sflag:s13] =	ssyncset.done $0x0  }
0x17: {  	s18 =	simm.s32 $0x3400;
	[sflag:s13] =	ssyncadd.s32 $0xFFFFCF00  }
0x18: {  	[tilespmem:s18], [sflag:$0x2] =	stream.linear.gather [hbm4b:s8+s3], $0x3100, $0x38;
	[tilespmem:$0x1E400] =	vst v63  }
0x19: {  	_ =	swait.ge [sflag:s13], $0x3100  }
0x1a: {  	[sflag:s13] =	ssyncset.done $0x0  }
0x1b: {  	[sflag:s13] =	ssyncadd.s32 $0xFFFFCF00  }
0x1c: {  	[bflag:$0x0] =	sbarrier.arrive $0xFFFF  }
0x1d: {  	[tilespmem:s15], [sflag:$0x1] =	stream.indirect.gather [hbm4b:s4+s14], $0x80, s3, s14, $0xb8;
	[tilespmem:$0x1E400] =	vst v63  }
0x1e: {  	p0 =	sne.s32 s9, $0x1;
	_ =	swait.ge [sflag:s16], $0x4000  }
.Ltmp0:
0x1f: {  	[sflag:s16] =	ssyncset.done $0x0;
	(pc) =	sbr.rel @!p0 .LBB2_3-.Ltmp0, $4  }
0x20: {  	[sflag:s16] =	ssyncadd.s32 $0xFFFFC000  }
0x21: {  	[spmem:s2] =	stream.indirect.scatter.add.f32 [tilespmem:s15], [sflag:$0x2], $0x80, s18, s14, $0xb8;
	[tilespmem:$0x1E400] =	vst v63  }
0x22: {  	_ =	swait.ge [sflag:s13], $0x4000  }
0x23: {  	s19 =	sadd.s32 $0xFFFFFFFF, s9;
	s20 =	simm.s32 $0x0;
	[sflag:s13] =	ssyncset.done $0x0  }
.LBB2_2:
0x24: {  	[sflag:s13] =	ssyncadd.s32 $0xFFFFC000;
	s20 =	sadd.s32 $0x80, s20;
	s18 =	sadd.s32 $0x80, s18  }
0x25: {  	[tilespmem:s15], [sflag:$0x1] =	stream.indirect.gather [hbm4b:s4+s14], $0x80, s20, s14, $0xb8;
	[tilespmem:$0x1E400] =	vst v63  }
0x26: {  	p0 =	sne.s32 s19, $0x1;
	s19 =	sadd.s32 $0xFFFFFFFF, s19;
	_ =	swait.ge [sflag:s16], $0x4000  }
.Ltmp1:
0x27: {  	[sflag:s16] =	ssyncset.done $0x0;
	(pc) =	sbr.rel @p0 .LBB2_2-.Ltmp1, $4  }
0x28: {  	[sflag:s16] =	ssyncadd.s32 $0xFFFFC000  }
0x29: {  	[spmem:s2] =	stream.indirect.scatter.add.f32 [tilespmem:s15], [sflag:$0x2], $0x80, s18, s14, $0xb8;
	[tilespmem:$0x1E400] =	vst v63  }
0x2a: {  	_ =	swait.ge [sflag:s13], $0x4000  }
0x2b: {  	[sflag:s13] =	ssyncset.done $0x0  }
.LBB2_3:
0x2c: {  	s17 =	sadd.s32 $0x1, s17  }
0x2d: {  	[sflag:s13] =	ssyncadd.s32 $0xFFFFC000;
	p0 =	sne.s32 s17, s11  }
.Ltmp2:
0x2e: {  	[bflag:$0x0] =	sbarrier.arrive $0xFFFF;
	(pc) =	sbr.rel @p0 .LBB2_1-.Ltmp2, $4  }
0x2f: {  	[hbm:s10], [sflag:s6] =	dma.local [spmem:s12], $0x2780  }
0x30: {  	_ =	swait.ge [sflag:s13], $0x2780  }
0x31: {  	[sflag:s13] =	ssyncset.done $0x0  }
0x32: {  	[sflag:s13] =	ssyncadd.s32 $0xFFFFD880  }
0x33: {  	_ =	sfence.sel $0x180000  }
0x34: {  	[bflag:$0x0] =	sbarrier.arrive $0xFFFF  }
0x35: {  	p0 =	sne.s32 s0, $0x0;
	_ =	strace $0x90000047  }
0x36: {  	s0 =	sadd.s32 @!p0 $0x100000, s1;
	[bflag:$0x2] =	sbarrier.arrive $0xFFFF  }
0x37: {  	[sflag:s0] =	ssyncadd.tile.s32 @!p0 $0x1;
	_ =	shalt  }
.Lfunc_end2:
_tile_overlayer_lowered:
.L_overlay_start_2:
0x38: {  	(tag) =	ssettag $0x2  }
0x39: {  	s0 =	rddreg [dreg:$0x0];
	s2 =	stileid.u32  }
0x3a: {  	s1 =	rddreg [dreg:$0x1];
	p0 =	sne.s32 s2, $0x0  }
0x3b: {  	s3 =	rddreg [dreg:$0x2];
	[bflag:$0x3] =	sbarrier.arrive $0xFFFF;
	s2 =	simm.s32 @!p0 $0x1C02  }
0x3c: {  	[timem:s3], [sflag:s2] =	dma.local @!p0 [hbm:s0], s1  }
0x3d: {  	s0 =	simm.s32 @!p0 $0x2  }
0x3e: {  	_ =	swait.ge @!p0 [sflag:s0], s1  }
0x3f: {  	s1 =	ssub.s32 @!p0 $0x0, s1;
	[sflag:s0] =	ssyncset.done @!p0 $0x0  }
0x40: {  	[sflag:s0] =	ssyncadd.s32 @!p0 s1  }
0x41: {  	[bflag:$0x3] =	sbarrier.arrive $0xFFFF  }
0x42: {  	_ =	shalt  }

// kernel: kernel.13.cloned.1.call-start
scs
__scs_entry_jumppad:
0x0: {  	(pc) =	sbr.rel $0x88, $3  }
0x1: {  	(tag) =	ssettag $0x0;
	lr =	simm.s32 $0x1  }
0x2: {  	[smem:$0x3F8C] =	sst lr;
	_ =	strace $0xD0000000  }
0x3: {  	_ = 	snop  }
0x4: {  	_ = 	snop  }
0x5: {  	_ = 	snop  }
0x6: {  	_ = 	snop  }
0x7: {  	_ = 	snop  }
__scs_overlays_trampoline_lowered:
0x8: {  	[smem:$0x3F9B] =	sst s0  }
0x9: {  	[smem:$0x3F9C] =	sst s1  }
0xa: {  	[smem:$0x3F9D] =	sst s2  }
0xb: {  	[smem:$0x3F9E] =	sst s3  }
0xc: {  	[smem:$0x3F9F] =	sst s4  }
0xd: {  	[smem:$0x3FA0] =	sst s5  }
0xe: {  	[smem:$0x3FA1] =	sst s6  }
0xf: {  	[smem:$0x3FA2] =	sst s7  }
0x10: {  	[smem:$0x3FA3] =	sst s8  }
0x11: {  	[smem:$0x3FA4] =	sst s9;
	s0 =	simm.s32 @!p0 $0x0  }
0x12: {  	s1 =	sld [smem:$0x3F8A];
	s0 =	simm.s32 @p0 $0x1  }
0x13: {  	[smem:$0x3FA5] =	sst s0;
	s0 =	simm.s32 @!p1 $0x0  }
0x14: {  	s2 =	sld [smem:$0x3F89];
	s0 =	simm.s32 @p1 $0x1  }
0x15: {  	[smem:$0x3FA6] =	sst s0;
	s0 =	simm.s32 @!p2 $0x0  }
0x16: {  	s3 =	sld [smem:$0x3FDB];
	s0 =	simm.s32 @p2 $0x1  }
0x17: {  	s4 =	simm.s32 $0x1BF5;
	[smem:$0x3FA8] =	sst s0  }
0x18: {  	s0 =	sld [smem:$0x3F8B];
	_ =	swait.ge [sflag:s4], $0x0  }
0x19: {  	s7 =	sld [smem:$0x3F8C]  }
0x1a: {  	s8 =	sadd.s32 $0xFFFFE003, lr  }
0x1b: {  	s9 =	sadd.s32 $0xFFFFFEF7, lr;
	s5 =	simm.s32 $0xFFFFFFFF;
	p2 =	slt.u32 s8, $0xFFFFF086  }
0x1c: {  	p1 =	slt.u32 s9, $0xF7A;
	s5 =	simm.s32 @!p2 $0x0  }
0x1d: {  	s5 =	simm.s32 @p1 $0x1;
	p0 =	seq.s32 s7, s2  }
0x1e: {  	s7 =	smul.u32 @!p0 $0xF7A, s2;
	p2 =	seq.s32 @!p0 s5, $0x0  }
0x1f: {  	s9 =	smul.u32 $0xF7A, s1;
	s8 =	simm.s32 @!p0 $0x1BF5;
	p2 =	por !p2, p0  }
0x20: {  	[sflag:s8] =	ssyncset.s32 @!p0 $0xFFFFF086;
	s6 =	sadd.s32 @!p0 s3, s7;
	s7 =	simm.s32 @!p0 $0x108  }
0x21: {  	s3 =	sadd.s32 s3, s9;
	s6 =	sadd.s32 @!p0 $0x88, s6;
	s7 =	simm.s32 @p2 $0x1082  }
0x22: {  	[simem:s7], [sflag:s8] =	dma.local @!p0 [hbm:s6], $0xF7A  }
0x23: {  	s9 =	sor.u32 $0xD0000000, s2;
	s6 =	simm.s32 $0x108;
	_ =	swait.ge @!p0 [sflag:s8], $0x0  }
0x24: {  	s3 =	sadd.s32 $0x88, s3;
	s6 =	simm.s32 @!p1 $0x1082;
	[sflag:s4] =	ssyncset.s32 $0xFFFFF086  }
0x25: {  	[simem:s6], [sflag:s4] =	dma.local [hbm:s3], $0xF7A  }
0x26: {  	[smem:$0x3F8C] =	sst s1;
	(tag) =	ssettag s2;
	_ =	strace s9  }
0x27: {  	s1 =	sld [smem:$0x3F9C]  }
0x28: {  	s2 =	sld [smem:$0x3F9D]  }
0x29: {  	s4 =	sld [smem:$0x3F9F]  }
0x2a: {  	p0 =	seq.s32 s5, $0x0;
	s5 =	sld [smem:$0x3FA0]  }
0x2b: {  	s6 =	sld [smem:$0x3FA1]  }
0x2c: {  	s7 =	sld [smem:$0x3FA2]  }
0x2d: {  	s3 =	simm.s32 $0x108;
	s8 =	sld [smem:$0x3FA3]  }
0x2e: {  	s3 =	simm.s32 @!p0 $0x1082;
	s9 =	sld [smem:$0x3FA4]  }
0x2f: {  	lr =	sadd.s32 s0, s3;
	s0 =	sld [smem:$0x3F9B]  }
0x30: {  	s3 =	sld [smem:$0x3F9E]  }
0x31: {  	[smem:$0x3FA7] =	sst s10  }
0x32: {  	s10 =	sld [smem:$0x3FA5];
	_ =	sdelay $0x3  }
0x33: {  	p0 =	seq.s32 s10, $0x1;
	s10 =	sld [smem:$0x3FA7];
	_ =	sdelay $0x3  }
0x34: {  	[smem:$0x3FA7] =	sst s10  }
0x35: {  	s10 =	sld [smem:$0x3FA6];
	_ =	sdelay $0x3  }
0x36: {  	p1 =	seq.s32 s10, $0x1;
	s10 =	sld [smem:$0x3FA7];
	_ =	sdelay $0x3  }
0x37: {  	[smem:$0x3FA7] =	sst s10  }
0x38: {  	s10 =	sld [smem:$0x3FA8]  }
0x39: {  	_ = 	snop;
	(pc) =	sbr.ind lr, $3  }
0x3a: {  	_ = 	snop  }
0x3b: {  	_ = 	snop  }
0x3c: {  	p2 =	seq.s32 s10, $0x1;
	s10 =	sld [smem:$0x3FA7]  }
0x3d: {  	_ =	shalt  }
0x3e: {  	_ =	shalt  }
0x3f: {  	_ =	shalt  }
0x40: {  	_ =	shalt  }
0x41: {  	_ =	shalt  }
0x42: {  	_ =	shalt  }
0x43: {  	_ =	shalt  }
0x44: {  	_ =	shalt  }
0x45: {  	_ =	shalt  }
0x46: {  	_ =	shalt  }
0x47: {  	_ =	shalt  }
0x48: {  	_ =	shalt  }
0x49: {  	_ =	shalt  }
0x4a: {  	_ =	shalt  }
0x4b: {  	_ =	shalt  }
0x4c: {  	_ =	shalt  }
0x4d: {  	_ =	shalt  }
0x4e: {  	_ =	shalt  }
0x4f: {  	_ =	shalt  }
0x50: {  	_ =	shalt  }
0x51: {  	_ =	shalt  }
0x52: {  	_ =	shalt  }
0x53: {  	_ =	shalt  }
0x54: {  	_ =	shalt  }
0x55: {  	_ =	shalt  }
0x56: {  	_ =	shalt  }
0x57: {  	_ =	shalt  }
0x58: {  	_ =	shalt  }
0x59: {  	_ =	shalt  }
0x5a: {  	_ =	shalt  }
0x5b: {  	_ =	shalt  }
0x5c: {  	_ =	shalt  }
0x5d: {  	_ =	shalt  }
0x5e: {  	_ =	shalt  }
0x5f: {  	_ =	shalt  }
0x60: {  	_ =	shalt  }
0x61: {  	_ =	shalt  }
0x62: {  	_ =	shalt  }
0x63: {  	_ =	shalt  }
0x64: {  	_ =	shalt  }
0x65: {  	_ =	shalt  }
0x66: {  	_ =	shalt  }
0x67: {  	_ =	shalt  }
0x68: {  	_ =	shalt  }
0x69: {  	_ =	shalt  }
0x6a: {  	_ =	shalt  }
0x6b: {  	_ =	shalt  }
0x6c: {  	_ =	shalt  }
0x6d: {  	_ =	shalt  }
0x6e: {  	_ =	shalt  }
0x6f: {  	_ =	shalt  }
0x70: {  	_ =	shalt  }
0x71: {  	_ =	shalt  }
0x72: {  	_ =	shalt  }
0x73: {  	_ =	shalt  }
0x74: {  	_ =	shalt  }
0x75: {  	_ =	shalt  }
0x76: {  	_ =	shalt  }
0x77: {  	_ =	shalt  }
0x78: {  	_ =	shalt  }
0x79: {  	_ =	shalt  }
0x7a: {  	_ =	shalt  }
0x7b: {  	_ =	shalt  }
0x7c: {  	_ =	shalt  }
0x7d: {  	_ =	shalt  }
0x7e: {  	_ =	shalt  }
0x7f: {  	_ =	shalt  }
0x80: {  	_ =	shalt  }
0x81: {  	_ =	shalt  }
0x82: {  	_ =	shalt  }
0x83: {  	_ =	shalt  }
0x84: {  	_ =	shalt  }
0x85: {  	_ =	shalt  }
0x86: {  	_ =	shalt  }
0x87: {  	_ =	shalt  }
.Lfunc_end0:
.L_simem_size_0:
called_computation.1_lowered:
.L_overlay_start_0:
0x88: {  	s2 =	sld [smem:$0x3FD9]  }
0x89: {  	s3 =	sld [smem:$0x3FFE];
	_ =	sdelay $0x1  }
0x8a: {  	s1 =	srdreg.scid  }
0x8b: {  	s0 =	sand.u32 $0x1, s1  }
0x8c: {  	s16 =	sshll.u32 s0, $0xA;
	s2 =	sadd.s32 s3, s2  }
0x8d: {  	s2 =	sadd.s32 s2, s16  }
0x8e: {  	[smem:$0x3FB3] =	sst s2  }
0x8f: {  	_ = 	snop  }
0x90: {  	(tm) =	ssettm $0x1  }
0x91: {  	s17 =	sld [smem:$0x3FFB];
	_ =	sdelay $0x3  }
0x92: {  	_ =	strace s17  }
0x93: {  	s2 =	sld [smem:$0x3FFC];
	_ =	sdelay $0x3  }
0x94: {  	_ =	strace s2  }
0x95: {  	s2 =	sld [smem:$0x3FFD];
	_ =	sdelay $0x3  }
0x96: {  	_ =	strace s2  }
0x97: {  	_ =	strace $0x8FFFFFFF  }
0x98: {  	s18 =	sld [smem:$0x3FDB];
	_ =	sdelay $0x1  }
0x99: {  	s19 =	simm.s32 $_scs_section_size  }
0x9a: {  	s4 =	simm.s32 $_size__tile_overlayer_lowered;
	s5 =	simm.s32 $_tile_overlayer_lowered  }
0x9b: {  	s22 =	simm.s32 $0x1BFF;
	s21 =	sshll.u32 s5, $0x1;
	s2 =	sadd.s32 s19, s18  }
0x9c: {  	s6 =	simm.s32 $0x0;
	s20 =	sshll.u32 s4, $0x1;
	s4 =	sadd.s32 s21, s2  }
0x9d: {  	[timem:s6], [sflag:s22] =	dma.local [hbm:s4], s20  }
0x9e: {  	_ =	swait.ge [sflag:s22], s20  }
0x9f: {  	s3 =	ssub.s32 $0x0, s20;
	[sflag:s22] =	ssyncset.done $0x0  }
0xa0: {  	[sflag:s22] =	ssyncadd.s32 s3;
	_ =	sdelay $0x1  }
0xa1: {  	s23 =	simm.s32 $0x1B8B  }
0xa2: {  	_ =	swait.ge [sflag:s23], $0x1  }
0xa3: {  	[sflag:s23] =	ssyncset.done $0x0  }
0xa4: {  	s25 =	simm.s32 $0x1B8E;
	s24 =	sld [smem:$0x3FFE];
	[sflag:s23] =	ssyncadd.s32 $0xFFFFFFFF  }
0xa5: {  	s26 =	simm.s32 $execute0_lowered;
	[smem:$0x3FD2] =	sst s25  }
0xa6: {  	s4 =	sshll.u32 s26, $0x1;
	_ =	strace $0x80000049;
	[dreg:$0x1] =	wrdreg $0xFFFFFFFF  }
0xa7: {  	s28 =	simm.s32 $_size_execute0_lowered;
	s2 =	sadd.s32 s2, s4;
	[dreg:$0x0] =	wrdreg $0x0  }
0xa8: {  	s4 =	sshll.u32 s28, $0x1;
	[dreg:$0x2] =	wrdreg s2  }
0xa9: {  	[dreg:$0x3] =	wrdreg s4  }
0xaa: {  	[dreg:$0x4] =	wrdreg $0xC0  }
0xab: {  	_ =	task [dreg:s6], $0x5FFFF  }
0xac: {  	[dreg:$0x1] =	wrdreg $0xFFFFFFFF  }
0xad: {  	[dreg:$0x0] =	wrdreg $0x60  }
0xae: {  	[dreg:$0x2] =	wrdreg s24  }
0xaf: {  	[dreg:$0x3] =	wrdreg $0xA8000  }
0xb0: {  	[dreg:$0x4] =	wrdreg $0x9  }
0xb1: {  	_ =	task.clear_ibuf [dreg:s6], $0x5FFFF;
	_ =	strace $0x90000049  }
0xb2: {  	s29 =	simm.s32 $0x9;
	_ =	strace $0x8000004B  }
0xb3: {  	_ =	swait.ge [sflag:s29], $0x1  }
0xb4: {  	[sflag:s29] =	ssyncadd.s32 $0xFFFFFFFF  }
0xb5: {  	_ =	strace $0x9000004B  }
0xb6: {  	_ =	sfence  }
0xb7: {  	s30 =	sld [smem:$0x0];
	_ =	sdelay $0x2  }
0xb8: {  	s31 =	sshll.u32 s1, $0xD;
	s1 =	sshrl.u32 s1, $0x2  }
0xb9: {  	s3 =	sand.u32 $0x4000, s31;
	s1 =	sadd.s32 s1, s30  }
0xba: {  	s0 =	sor.u32 s3, s0;
	s1 =	sshll.u32 s1, $0x11  }
0xbb: {  	s0 =	sor.u32 s1, s0  }
0xbc: {  	s0 =	sadd.s32 $0x8F2B, s0  }
0xbd: {  	[sflag:s0] =	ssyncadd.remote.s32 $0x1  }
0xbe: {  	_ =	sfence.sel $0xFFFF  }
0xbf: {  	[dreg:$0x0] =	wrdreg $0xFFFFFFFF;
	(pc) =	sbr.abs _section_cstart, $3  }
0xc0: {  	[dreg:$0x1] =	wrdreg $0xFFFFFFFF  }
0xc1: {  	_ =	task.clear_ibuf [dreg:s6], $0x2FFFF;
	_ =	strace $0x9FFFFFFF  }
0xc2: {  	(tm) =	ssettm $0x7FFFFFFF  }
0xc3: {  	_ =	shalt  }
tec
execute0_lowered:
.L_overlay_start_1:
0x0: {  	(tag) =	ssettag $0x1  }
0x1: {  	s5 =	rddreg [dreg:$0x0]  }
0x2: {  	s0 =	srdreg.scid;
	s2 =	rddreg [dreg:$0x1];
	s3 =	simm.s32 $0x0  }
0x3: {  	s14 =	simm.s32 $0x80;
	s9 =	sand.u32 $0x1, s0;
	s0 =	stileid.u32  }
0x4: {  	s15 =	simm.s32 $0x6800;
	s16 =	simm.s32 $0x1;
	s7 =	smul.u32 $0x13C00, s0  }
0x5: {  	s17 =	simm.s32 $0x0;
	[smem:$0x7FF] =	sst s3;
	s8 =	smul.u32 $0x13C000, s9  }
0x6: {  	s4 =	sadd.s32 $0x4200, s5;
	s1 =	sshll.u32 s9, $0x4;
	s28 =	smul.u32 $0x4F000, s0  }
0x7: {  	s11 =	ssub.s32 $0x2, s9;
	s31 =	sshll.u32 s0, $0x6;
	p0 =	seq.s32 s9, $0x0  }
0x8: {  	s9 =	simm.s32 $0x62;
	s1 =	sor.u32 s0, s1;
	s29 =	sshrl.u32 s11, $0x1  }
0x9: {  	s9 =	simm.s32 @!p0 $0x3B;
	s6 =	smul.u32 $0x680, s1;
	s1 =	rddreg [dreg:$0x2]  }
0xa: {  	_ =	strace $0x8000004A;
	s26 =	sshrl.u32 s7, $0x3;
	s7 =	sadd.s32 s7, s8  }
0xb: {  	s30 =	sshrl.u32 s28, $0x2;
	s11 =	ssub.s32 s11, s29;
	s7 =	sshrl.u32 s7, $0x3  }
0xc: {  	s13 =	sadd.s32 s30, s2;
	s10 =	sadd.s32 s6, s5;
	s6 =	sadd.s32 s26, s5  }
0xd: {  	s11 =	smax.u32 s11, $0x1;
	s12 =	sadd.s32 s7, s5;
	s5 =	sadd.s32 $0x45400, s6  }
0xe: {  	s6 =	sor.u32 $0x1C02, s31;
	s7 =	sadd.s32 $0x38400, s10;
	s8 =	sadd.s32 $0x2B400, s10  }
0xf: {  	s10 =	sadd.s32 $0x6CC00, s12;
	s12 =	sshrl.u32 s13, $0x3;
	s13 =	simm.s32 $0x2  }
.LBB2_1:
0x10: {  	[spmem:s12], [sflag:s6] =	dma.local [hbm:s5], $0x2780  }
0x11: {  	_ =	swait.ge [sflag:s13], $0x2780  }
0x12: {  	[sflag:s13] =	ssyncset.done $0x0  }
0x13: {  	[sflag:s13] =	ssyncadd.s32 $0xFFFFD880  }
0x14: {  	[tilespmem:s3], [sflag:$0x2] =	stream.linear.gather [hbm4b:s7+s3], $0x3100, $0x38;
	[tilespmem:$0x1E400] =	vst v63  }
0x15: {  	_ =	swait.ge [sflag:s13], $0x3100  }
0x16: {  	[sflag:s13] =	ssyncset.done $0x0  }
0x17: {  	s18 =	simm.s32 $0x3400;
	[sflag:s13] =	ssyncadd.s32 $0xFFFFCF00  }
0x18: {  	[tilespmem:s18], [sflag:$0x2] =	stream.linear.gather [hbm4b:s8+s3], $0x3100, $0x38;
	[tilespmem:$0x1E400] =	vst v63  }
0x19: {  	_ =	swait.ge [sflag:s13], $0x3100  }
0x1a: {  	[sflag:s13] =	ssyncset.done $0x0  }
0x1b: {  	[sflag:s13] =	ssyncadd.s32 $0xFFFFCF00  }
0x1c: {  	[bflag:$0x0] =	sbarrier.arrive $0xFFFF  }
0x1d: {  	[tilespmem:s15], [sflag:$0x1] =	stream.indirect.gather [hbm4b:s4+s14], $0x80, s3, s14, $0xb8;
	[tilespmem:$0x1E400] =	vst v63  }
0x1e: {  	p0 =	sne.s32 s9, $0x1;
	_ =	swait.ge [sflag:s16], $0x4000  }
.Ltmp0:
0x1f: {  	[sflag:s16] =	ssyncset.done $0x0;
	(pc) =	sbr.rel @!p0 .LBB2_3-.Ltmp0, $4  }
0x20: {  	[sflag:s16] =	ssyncadd.s32 $0xFFFFC000  }
0x21: {  	[spmem:s2] =	stream.indirect.scatter.add.f32 [tilespmem:s15], [sflag:$0x2], $0x80, s18, s14, $0xb8;
	[tilespmem:$0x1E400] =	vst v63  }
0x22: {  	_ =	swait.ge [sflag:s13], $0x4000  }
0x23: {  	s19 =	sadd.s32 $0xFFFFFFFF, s9;
	s20 =	simm.s32 $0x0;
	[sflag:s13] =	ssyncset.done $0x0  }
.LBB2_2:
0x24: {  	[sflag:s13] =	ssyncadd.s32 $0xFFFFC000;
	s20 =	sadd.s32 $0x80, s20;
	s18 =	sadd.s32 $0x80, s18  }
0x25: {  	[tilespmem:s15], [sflag:$0x1] =	stream.indirect.gather [hbm4b:s4+s14], $0x80, s20, s14, $0xb8;
	[tilespmem:$0x1E400] =	vst v63  }
0x26: {  	p0 =	sne.s32 s19, $0x1;
	s19 =	sadd.s32 $0xFFFFFFFF, s19;
	_ =	swait.ge [sflag:s16], $0x4000  }
.Ltmp1:
0x27: {  	[sflag:s16] =	ssyncset.done $0x0;
	(pc) =	sbr.rel @p0 .LBB2_2-.Ltmp1, $4  }
0x28: {  	[sflag:s16] =	ssyncadd.s32 $0xFFFFC000  }
0x29: {  	[spmem:s2] =	stream.indirect.scatter.add.f32 [tilespmem:s15], [sflag:$0x2], $0x80, s18, s14, $0xb8;
	[tilespmem:$0x1E400] =	vst v63  }
0x2a: {  	_ =	swait.ge [sflag:s13], $0x4000  }
0x2b: {  	[sflag:s13] =	ssyncset.done $0x0  }
.LBB2_3:
0x2c: {  	s17 =	sadd.s32 $0x1, s17  }
0x2d: {  	[sflag:s13] =	ssyncadd.s32 $0xFFFFC000;
	p0 =	sne.s32 s17, s11  }
.Ltmp2:
0x2e: {  	[bflag:$0x0] =	sbarrier.arrive $0xFFFF;
	(pc) =	sbr.rel @p0 .LBB2_1-.Ltmp2, $4  }
0x2f: {  	[hbm:s10], [sflag:s6] =	dma.local [spmem:s12], $0x2780  }
0x30: {  	_ =	swait.ge [sflag:s13], $0x2780  }
0x31: {  	[sflag:s13] =	ssyncset.done $0x0  }
0x32: {  	[sflag:s13] =	ssyncadd.s32 $0xFFFFD880  }
0x33: {  	_ =	sfence.sel $0x180000  }
0x34: {  	[bflag:$0x0] =	sbarrier.arrive $0xFFFF  }
0x35: {  	p0 =	sne.s32 s0, $0x0;
	_ =	strace $0x9000004A  }
0x36: {  	s0 =	sadd.s32 @!p0 $0x100000, s1;
	[bflag:$0x2] =	sbarrier.arrive $0xFFFF  }
0x37: {  	[sflag:s0] =	ssyncadd.tile.s32 @!p0 $0x1;
	_ =	shalt  }
.Lfunc_end2:
_tile_overlayer_lowered:
.L_overlay_start_2:
0x38: {  	(tag) =	ssettag $0x2  }
0x39: {  	s0 =	rddreg [dreg:$0x0];
	s2 =	stileid.u32  }
0x3a: {  	s1 =	rddreg [dreg:$0x1];
	p0 =	sne.s32 s2, $0x0  }
0x3b: {  	s3 =	rddreg [dreg:$0x2];
	[bflag:$0x3] =	sbarrier.arrive $0xFFFF;
	s2 =	simm.s32 @!p0 $0x1C02  }
0x3c: {  	[timem:s3], [sflag:s2] =	dma.local @!p0 [hbm:s0], s1  }
0x3d: {  	s0 =	simm.s32 @!p0 $0x2  }
0x3e: {  	_ =	swait.ge @!p0 [sflag:s0], s1  }
0x3f: {  	s1 =	ssub.s32 @!p0 $0x0, s1;
	[sflag:s0] =	ssyncset.done @!p0 $0x0  }
0x40: {  	[sflag:s0] =	ssyncadd.s32 @!p0 s1  }
0x41: {  	[bflag:$0x3] =	sbarrier.arrive $0xFFFF  }
0x42: {  	_ =	shalt  }

// kernel: kernel.16.cloned.1.call-start
scs
__scs_entry_jumppad:
0x0: {  	(pc) =	sbr.rel $0x88, $3  }
0x1: {  	(tag) =	ssettag $0x0;
	lr =	simm.s32 $0x1  }
0x2: {  	[smem:$0x3F8C] =	sst lr;
	_ =	strace $0xD0000000  }
0x3: {  	_ = 	snop  }
0x4: {  	_ = 	snop  }
0x5: {  	_ = 	snop  }
0x6: {  	_ = 	snop  }
0x7: {  	_ = 	snop  }
__scs_overlays_trampoline_lowered:
0x8: {  	[smem:$0x3F9B] =	sst s0  }
0x9: {  	[smem:$0x3F9C] =	sst s1  }
0xa: {  	[smem:$0x3F9D] =	sst s2  }
0xb: {  	[smem:$0x3F9E] =	sst s3  }
0xc: {  	[smem:$0x3F9F] =	sst s4  }
0xd: {  	[smem:$0x3FA0] =	sst s5  }
0xe: {  	[smem:$0x3FA1] =	sst s6  }
0xf: {  	[smem:$0x3FA2] =	sst s7  }
0x10: {  	[smem:$0x3FA3] =	sst s8  }
0x11: {  	[smem:$0x3FA4] =	sst s9;
	s0 =	simm.s32 @!p0 $0x0  }
0x12: {  	s1 =	sld [smem:$0x3F8A];
	s0 =	simm.s32 @p0 $0x1  }
0x13: {  	[smem:$0x3FA5] =	sst s0;
	s0 =	simm.s32 @!p1 $0x0  }
0x14: {  	s2 =	sld [smem:$0x3F89];
	s0 =	simm.s32 @p1 $0x1  }
0x15: {  	[smem:$0x3FA6] =	sst s0;
	s0 =	simm.s32 @!p2 $0x0  }
0x16: {  	s3 =	sld [smem:$0x3FDB];
	s0 =	simm.s32 @p2 $0x1  }
0x17: {  	s4 =	simm.s32 $0x1BF5;
	[smem:$0x3FA8] =	sst s0  }
0x18: {  	s0 =	sld [smem:$0x3F8B];
	_ =	swait.ge [sflag:s4], $0x0  }
0x19: {  	s7 =	sld [smem:$0x3F8C]  }
0x1a: {  	s8 =	sadd.s32 $0xFFFFE003, lr  }
0x1b: {  	s9 =	sadd.s32 $0xFFFFFEF7, lr;
	s5 =	simm.s32 $0xFFFFFFFF;
	p2 =	slt.u32 s8, $0xFFFFF086  }
0x1c: {  	p1 =	slt.u32 s9, $0xF7A;
	s5 =	simm.s32 @!p2 $0x0  }
0x1d: {  	s5 =	simm.s32 @p1 $0x1;
	p0 =	seq.s32 s7, s2  }
0x1e: {  	s7 =	smul.u32 @!p0 $0xF7A, s2;
	p2 =	seq.s32 @!p0 s5, $0x0  }
0x1f: {  	s9 =	smul.u32 $0xF7A, s1;
	s8 =	simm.s32 @!p0 $0x1BF5;
	p2 =	por !p2, p0  }
0x20: {  	[sflag:s8] =	ssyncset.s32 @!p0 $0xFFFFF086;
	s6 =	sadd.s32 @!p0 s3, s7;
	s7 =	simm.s32 @!p0 $0x108  }
0x21: {  	s3 =	sadd.s32 s3, s9;
	s6 =	sadd.s32 @!p0 $0x88, s6;
	s7 =	simm.s32 @p2 $0x1082  }
0x22: {  	[simem:s7], [sflag:s8] =	dma.local @!p0 [hbm:s6], $0xF7A  }
0x23: {  	s9 =	sor.u32 $0xD0000000, s2;
	s6 =	simm.s32 $0x108;
	_ =	swait.ge @!p0 [sflag:s8], $0x0  }
0x24: {  	s3 =	sadd.s32 $0x88, s3;
	s6 =	simm.s32 @!p1 $0x1082;
	[sflag:s4] =	ssyncset.s32 $0xFFFFF086  }
0x25: {  	[simem:s6], [sflag:s4] =	dma.local [hbm:s3], $0xF7A  }
0x26: {  	[smem:$0x3F8C] =	sst s1;
	(tag) =	ssettag s2;
	_ =	strace s9  }
0x27: {  	s1 =	sld [smem:$0x3F9C]  }
0x28: {  	s2 =	sld [smem:$0x3F9D]  }
0x29: {  	s4 =	sld [smem:$0x3F9F]  }
0x2a: {  	p0 =	seq.s32 s5, $0x0;
	s5 =	sld [smem:$0x3FA0]  }
0x2b: {  	s6 =	sld [smem:$0x3FA1]  }
0x2c: {  	s7 =	sld [smem:$0x3FA2]  }
0x2d: {  	s3 =	simm.s32 $0x108;
	s8 =	sld [smem:$0x3FA3]  }
0x2e: {  	s3 =	simm.s32 @!p0 $0x1082;
	s9 =	sld [smem:$0x3FA4]  }
0x2f: {  	lr =	sadd.s32 s0, s3;
	s0 =	sld [smem:$0x3F9B]  }
0x30: {  	s3 =	sld [smem:$0x3F9E]  }
0x31: {  	[smem:$0x3FA7] =	sst s10  }
0x32: {  	s10 =	sld [smem:$0x3FA5];
	_ =	sdelay $0x3  }
0x33: {  	p0 =	seq.s32 s10, $0x1;
	s10 =	sld [smem:$0x3FA7];
	_ =	sdelay $0x3  }
0x34: {  	[smem:$0x3FA7] =	sst s10  }
0x35: {  	s10 =	sld [smem:$0x3FA6];
	_ =	sdelay $0x3  }
0x36: {  	p1 =	seq.s32 s10, $0x1;
	s10 =	sld [smem:$0x3FA7];
	_ =	sdelay $0x3  }
0x37: {  	[smem:$0x3FA7] =	sst s10  }
0x38: {  	s10 =	sld [smem:$0x3FA8]  }
0x39: {  	_ = 	snop;
	(pc) =	sbr.ind lr, $3  }
0x3a: {  	_ = 	snop  }
0x3b: {  	_ = 	snop  }
0x3c: {  	p2 =	seq.s32 s10, $0x1;
	s10 =	sld [smem:$0x3FA7]  }
0x3d: {  	_ =	shalt  }
0x3e: {  	_ =	shalt  }
0x3f: {  	_ =	shalt  }
0x40: {  	_ =	shalt  }
0x41: {  	_ =	shalt  }
0x42: {  	_ =	shalt  }
0x43: {  	_ =	shalt  }
0x44: {  	_ =	shalt  }
0x45: {  	_ =	shalt  }
0x46: {  	_ =	shalt  }
0x47: {  	_ =	shalt  }
0x48: {  	_ =	shalt  }
0x49: {  	_ =	shalt  }
0x4a: {  	_ =	shalt  }
0x4b: {  	_ =	shalt  }
0x4c: {  	_ =	shalt  }
0x4d: {  	_ =	shalt  }
0x4e: {  	_ =	shalt  }
0x4f: {  	_ =	shalt  }
0x50: {  	_ =	shalt  }
0x51: {  	_ =	shalt  }
0x52: {  	_ =	shalt  }
0x53: {  	_ =	shalt  }
0x54: {  	_ =	shalt  }
0x55: {  	_ =	shalt  }
0x56: {  	_ =	shalt  }
0x57: {  	_ =	shalt  }
0x58: {  	_ =	shalt  }
0x59: {  	_ =	shalt  }
0x5a: {  	_ =	shalt  }
0x5b: {  	_ =	shalt  }
0x5c: {  	_ =	shalt  }
0x5d: {  	_ =	shalt  }
0x5e: {  	_ =	shalt  }
0x5f: {  	_ =	shalt  }
0x60: {  	_ =	shalt  }
0x61: {  	_ =	shalt  }
0x62: {  	_ =	shalt  }
0x63: {  	_ =	shalt  }
0x64: {  	_ =	shalt  }
0x65: {  	_ =	shalt  }
0x66: {  	_ =	shalt  }
0x67: {  	_ =	shalt  }
0x68: {  	_ =	shalt  }
0x69: {  	_ =	shalt  }
0x6a: {  	_ =	shalt  }
0x6b: {  	_ =	shalt  }
0x6c: {  	_ =	shalt  }
0x6d: {  	_ =	shalt  }
0x6e: {  	_ =	shalt  }
0x6f: {  	_ =	shalt  }
0x70: {  	_ =	shalt  }
0x71: {  	_ =	shalt  }
0x72: {  	_ =	shalt  }
0x73: {  	_ =	shalt  }
0x74: {  	_ =	shalt  }
0x75: {  	_ =	shalt  }
0x76: {  	_ =	shalt  }
0x77: {  	_ =	shalt  }
0x78: {  	_ =	shalt  }
0x79: {  	_ =	shalt  }
0x7a: {  	_ =	shalt  }
0x7b: {  	_ =	shalt  }
0x7c: {  	_ =	shalt  }
0x7d: {  	_ =	shalt  }
0x7e: {  	_ =	shalt  }
0x7f: {  	_ =	shalt  }
0x80: {  	_ =	shalt  }
0x81: {  	_ =	shalt  }
0x82: {  	_ =	shalt  }
0x83: {  	_ =	shalt  }
0x84: {  	_ =	shalt  }
0x85: {  	_ =	shalt  }
0x86: {  	_ =	shalt  }
0x87: {  	_ =	shalt  }
.Lfunc_end0:
.L_simem_size_0:
called_computation.2_lowered:
.L_overlay_start_0:
0x88: {  	s2 =	sld [smem:$0x3FD9]  }
0x89: {  	s3 =	sld [smem:$0x3FFE];
	_ =	sdelay $0x1  }
0x8a: {  	s1 =	srdreg.scid  }
0x8b: {  	s0 =	sand.u32 $0x1, s1  }
0x8c: {  	s16 =	sshll.u32 s0, $0xA;
	s2 =	sadd.s32 s3, s2  }
0x8d: {  	s2 =	sadd.s32 s2, s16  }
0x8e: {  	[smem:$0x3FB3] =	sst s2  }
0x8f: {  	_ = 	snop  }
0x90: {  	(tm) =	ssettm $0x1  }
0x91: {  	s17 =	sld [smem:$0x3FFB];
	_ =	sdelay $0x3  }
0x92: {  	_ =	strace s17  }
0x93: {  	s2 =	sld [smem:$0x3FFC];
	_ =	sdelay $0x3  }
0x94: {  	_ =	strace s2  }
0x95: {  	s2 =	sld [smem:$0x3FFD];
	_ =	sdelay $0x3  }
0x96: {  	_ =	strace s2  }
0x97: {  	_ =	strace $0x8FFFFFFF  }
0x98: {  	s18 =	sld [smem:$0x3FDB];
	_ =	sdelay $0x1  }
0x99: {  	s19 =	simm.s32 $_scs_section_size  }
0x9a: {  	s4 =	simm.s32 $_size__tile_overlayer_lowered;
	s5 =	simm.s32 $_tile_overlayer_lowered  }
0x9b: {  	s22 =	simm.s32 $0x1BFF;
	s21 =	sshll.u32 s5, $0x1;
	s2 =	sadd.s32 s19, s18  }
0x9c: {  	s6 =	simm.s32 $0x0;
	s20 =	sshll.u32 s4, $0x1;
	s4 =	sadd.s32 s21, s2  }
0x9d: {  	[timem:s6], [sflag:s22] =	dma.local [hbm:s4], s20  }
0x9e: {  	_ =	swait.ge [sflag:s22], s20  }
0x9f: {  	s3 =	ssub.s32 $0x0, s20;
	[sflag:s22] =	ssyncset.done $0x0  }
0xa0: {  	[sflag:s22] =	ssyncadd.s32 s3;
	_ =	sdelay $0x1  }
0xa1: {  	s23 =	simm.s32 $0x1B8B  }
0xa2: {  	_ =	swait.ge [sflag:s23], $0x1  }
0xa3: {  	[sflag:s23] =	ssyncset.done $0x0  }
0xa4: {  	s25 =	simm.s32 $0x1B8E;
	s24 =	sld [smem:$0x3FFE];
	[sflag:s23] =	ssyncadd.s32 $0xFFFFFFFF  }
0xa5: {  	s26 =	simm.s32 $execute0_lowered;
	[smem:$0x3FD2] =	sst s25  }
0xa6: {  	s4 =	sshll.u32 s26, $0x1;
	_ =	strace $0x8000004C;
	[dreg:$0x1] =	wrdreg $0xFFFFFFFF  }
0xa7: {  	s28 =	simm.s32 $_size_execute0_lowered;
	s2 =	sadd.s32 s2, s4;
	[dreg:$0x0] =	wrdreg $0x0  }
0xa8: {  	s4 =	sshll.u32 s28, $0x1;
	[dreg:$0x2] =	wrdreg s2  }
0xa9: {  	[dreg:$0x3] =	wrdreg s4  }
0xaa: {  	[dreg:$0x4] =	wrdreg $0xC0  }
0xab: {  	_ =	task [dreg:s6], $0x5FFFF  }
0xac: {  	[dreg:$0x1] =	wrdreg $0xFFFFFFFF  }
0xad: {  	[dreg:$0x0] =	wrdreg $0x60  }
0xae: {  	[dreg:$0x2] =	wrdreg s24  }
0xaf: {  	[dreg:$0x3] =	wrdreg $0xA8000  }
0xb0: {  	[dreg:$0x4] =	wrdreg $0x9  }
0xb1: {  	_ =	task.clear_ibuf [dreg:s6], $0x5FFFF;
	_ =	strace $0x9000004C  }
0xb2: {  	s29 =	simm.s32 $0x9;
	_ =	strace $0x8000004E  }
0xb3: {  	_ =	swait.ge [sflag:s29], $0x1  }
0xb4: {  	[sflag:s29] =	ssyncadd.s32 $0xFFFFFFFF  }
0xb5: {  	_ =	strace $0x9000004E  }
0xb6: {  	_ =	sfence  }
0xb7: {  	s30 =	sld [smem:$0x0];
	_ =	sdelay $0x2  }
0xb8: {  	s31 =	sshll.u32 s1, $0xD;
	s1 =	sshrl.u32 s1, $0x2  }
0xb9: {  	s3 =	sand.u32 $0x4000, s31;
	s1 =	sadd.s32 s1, s30  }
0xba: {  	s0 =	sor.u32 s3, s0;
	s1 =	sshll.u32 s1, $0x11  }
0xbb: {  	s0 =	sor.u32 s1, s0  }
0xbc: {  	s0 =	sadd.s32 $0x8F2B, s0  }
0xbd: {  	[sflag:s0] =	ssyncadd.remote.s32 $0x1  }
0xbe: {  	_ =	sfence.sel $0xFFFF  }
0xbf: {  	[dreg:$0x0] =	wrdreg $0xFFFFFFFF;
	(pc) =	sbr.abs _section_cstart, $3  }
0xc0: {  	[dreg:$0x1] =	wrdreg $0xFFFFFFFF  }
0xc1: {  	_ =	task.clear_ibuf [dreg:s6], $0x2FFFF;
	_ =	strace $0x9FFFFFFF  }
0xc2: {  	(tm) =	ssettm $0x7FFFFFFF  }
0xc3: {  	_ =	shalt  }
tec
execute0_lowered:
.L_overlay_start_1:
0x0: {  	(tag) =	ssettag $0x1  }
0x1: {  	s5 =	rddreg [dreg:$0x0]  }
0x2: {  	s0 =	srdreg.scid;
	s2 =	rddreg [dreg:$0x1];
	s3 =	simm.s32 $0x0  }
0x3: {  	s14 =	simm.s32 $0x80;
	s9 =	sand.u32 $0x1, s0;
	s0 =	stileid.u32  }
0x4: {  	s15 =	simm.s32 $0x6800;
	s16 =	simm.s32 $0x1;
	s7 =	smul.u32 $0x13C00, s0  }
0x5: {  	s17 =	simm.s32 $0x0;
	[smem:$0x7FF] =	sst s3;
	s8 =	smul.u32 $0x13C000, s9  }
0x6: {  	s4 =	sadd.s32 $0x4200, s5;
	s1 =	sshll.u32 s9, $0x4;
	s28 =	smul.u32 $0x4F000, s0  }
0x7: {  	s11 =	ssub.s32 $0x2, s9;
	s31 =	sshll.u32 s0, $0x6;
	p0 =	seq.s32 s9, $0x0  }
0x8: {  	s9 =	simm.s32 $0x62;
	s1 =	sor.u32 s0, s1;
	s29 =	sshrl.u32 s11, $0x1  }
0x9: {  	s9 =	simm.s32 @!p0 $0x3B;
	s6 =	smul.u32 $0x680, s1;
	s1 =	rddreg [dreg:$0x2]  }
0xa: {  	_ =	strace $0x8000004D;
	s26 =	sshrl.u32 s7, $0x3;
	s7 =	sadd.s32 s7, s8  }
0xb: {  	s30 =	sshrl.u32 s28, $0x2;
	s11 =	ssub.s32 s11, s29;
	s7 =	sshrl.u32 s7, $0x3  }
0xc: {  	s13 =	sadd.s32 s30, s2;
	s10 =	sadd.s32 s6, s5;
	s6 =	sadd.s32 s26, s5  }
0xd: {  	s11 =	smax.u32 s11, $0x1;
	s12 =	sadd.s32 s7, s5;
	s5 =	sadd.s32 $0x45400, s6  }
0xe: {  	s6 =	sor.u32 $0x1C02, s31;
	s7 =	sadd.s32 $0x38400, s10;
	s8 =	sadd.s32 $0x2B400, s10  }
0xf: {  	s10 =	sadd.s32 $0x6CC00, s12;
	s12 =	sshrl.u32 s13, $0x3;
	s13 =	simm.s32 $0x2  }
.LBB2_1:
0x10: {  	[spmem:s12], [sflag:s6] =	dma.local [hbm:s5], $0x2780  }
0x11: {  	_ =	swait.ge [sflag:s13], $0x2780  }
0x12: {  	[sflag:s13] =	ssyncset.done $0x0  }
0x13: {  	[sflag:s13] =	ssyncadd.s32 $0xFFFFD880  }
0x14: {  	[tilespmem:s3], [sflag:$0x2] =	stream.linear.gather [hbm4b:s7+s3], $0x3100, $0x38;
	[tilespmem:$0x1E400] =	vst v63  }
0x15: {  	_ =	swait.ge [sflag:s13], $0x3100  }
0x16: {  	[sflag:s13] =	ssyncset.done $0x0  }
0x17: {  	s18 =	simm.s32 $0x3400;
	[sflag:s13] =	ssyncadd.s32 $0xFFFFCF00  }
0x18: {  	[tilespmem:s18], [sflag:$0x2] =	stream.linear.gather [hbm4b:s8+s3], $0x3100, $0x38;
	[tilespmem:$0x1E400] =	vst v63  }
0x19: {  	_ =	swait.ge [sflag:s13], $0x3100  }
0x1a: {  	[sflag:s13] =	ssyncset.done $0x0  }
0x1b: {  	[sflag:s13] =	ssyncadd.s32 $0xFFFFCF00  }
0x1c: {  	[bflag:$0x0] =	sbarrier.arrive $0xFFFF  }
0x1d: {  	[tilespmem:s15], [sflag:$0x1] =	stream.indirect.gather [hbm4b:s4+s14], $0x80, s3, s14, $0xb8;
	[tilespmem:$0x1E400] =	vst v63  }
0x1e: {  	p0 =	sne.s32 s9, $0x1;
	_ =	swait.ge [sflag:s16], $0x4000  }
.Ltmp0:
0x1f: {  	[sflag:s16] =	ssyncset.done $0x0;
	(pc) =	sbr.rel @!p0 .LBB2_3-.Ltmp0, $4  }
0x20: {  	[sflag:s16] =	ssyncadd.s32 $0xFFFFC000  }
0x21: {  	[spmem:s2] =	stream.indirect.scatter.add.f32 [tilespmem:s15], [sflag:$0x2], $0x80, s18, s14, $0xb8;
	[tilespmem:$0x1E400] =	vst v63  }
0x22: {  	_ =	swait.ge [sflag:s13], $0x4000  }
0x23: {  	s19 =	sadd.s32 $0xFFFFFFFF, s9;
	s20 =	simm.s32 $0x0;
	[sflag:s13] =	ssyncset.done $0x0  }
.LBB2_2:
0x24: {  	[sflag:s13] =	ssyncadd.s32 $0xFFFFC000;
	s20 =	sadd.s32 $0x80, s20;
	s18 =	sadd.s32 $0x80, s18  }
0x25: {  	[tilespmem:s15], [sflag:$0x1] =	stream.indirect.gather [hbm4b:s4+s14], $0x80, s20, s14, $0xb8;
	[tilespmem:$0x1E400] =	vst v63  }
0x26: {  	p0 =	sne.s32 s19, $0x1;
	s19 =	sadd.s32 $0xFFFFFFFF, s19;
	_ =	swait.ge [sflag:s16], $0x4000  }
.Ltmp1:
0x27: {  	[sflag:s16] =	ssyncset.done $0x0;
	(pc) =	sbr.rel @p0 .LBB2_2-.Ltmp1, $4  }
0x28: {  	[sflag:s16] =	ssyncadd.s32 $0xFFFFC000  }
0x29: {  	[spmem:s2] =	stream.indirect.scatter.add.f32 [tilespmem:s15], [sflag:$0x2], $0x80, s18, s14, $0xb8;
	[tilespmem:$0x1E400] =	vst v63  }
0x2a: {  	_ =	swait.ge [sflag:s13], $0x4000  }
0x2b: {  	[sflag:s13] =	ssyncset.done $0x0  }
.LBB2_3:
0x2c: {  	s17 =	sadd.s32 $0x1, s17  }
0x2d: {  	[sflag:s13] =	ssyncadd.s32 $0xFFFFC000;
	p0 =	sne.s32 s17, s11  }
.Ltmp2:
0x2e: {  	[bflag:$0x0] =	sbarrier.arrive $0xFFFF;
	(pc) =	sbr.rel @p0 .LBB2_1-.Ltmp2, $4  }
0x2f: {  	[hbm:s10], [sflag:s6] =	dma.local [spmem:s12], $0x2780  }
0x30: {  	_ =	swait.ge [sflag:s13], $0x2780  }
0x31: {  	[sflag:s13] =	ssyncset.done $0x0  }
0x32: {  	[sflag:s13] =	ssyncadd.s32 $0xFFFFD880  }
0x33: {  	_ =	sfence.sel $0x180000  }
0x34: {  	[bflag:$0x0] =	sbarrier.arrive $0xFFFF  }
0x35: {  	p0 =	sne.s32 s0, $0x0;
	_ =	strace $0x9000004D  }
0x36: {  	s0 =	sadd.s32 @!p0 $0x100000, s1;
	[bflag:$0x2] =	sbarrier.arrive $0xFFFF  }
0x37: {  	[sflag:s0] =	ssyncadd.tile.s32 @!p0 $0x1;
	_ =	shalt  }
.Lfunc_end2:
_tile_overlayer_lowered:
.L_overlay_start_2:
0x38: {  	(tag) =	ssettag $0x2  }
0x39: {  	s0 =	rddreg [dreg:$0x0];
	s2 =	stileid.u32  }
0x3a: {  	s1 =	rddreg [dreg:$0x1];
	p0 =	sne.s32 s2, $0x0  }
0x3b: {  	s3 =	rddreg [dreg:$0x2];
	[bflag:$0x3] =	sbarrier.arrive $0xFFFF;
	s2 =	simm.s32 @!p0 $0x1C02  }
0x3c: {  	[timem:s3], [sflag:s2] =	dma.local @!p0 [hbm:s0], s1  }
0x3d: {  	s0 =	simm.s32 @!p0 $0x2  }
0x3e: {  	_ =	swait.ge @!p0 [sflag:s0], s1  }
0x3f: {  	s1 =	ssub.s32 @!p0 $0x0, s1;
	[sflag:s0] =	ssyncset.done @!p0 $0x0  }
0x40: {  	[sflag:s0] =	ssyncadd.s32 @!p0 s1  }
0x41: {  	[bflag:$0x3] =	sbarrier.arrive $0xFFFF  }
0x42: {  	_ =	shalt  }

</sc_bundles>
